<compile_context>
chip_gen: v7x
topology: tpu7x:2x2x1
jax: 0.10.2.dev20260603
libtpu: 0.0.44.dev20260713+nightly
codegen_flags: <defaults>
</compile_context>

<pallas_src>
import jax
import jax.numpy as jnp
from jax import lax
from jax.experimental import pallas as pl
from jax.experimental.pallas import tpu as pltpu
from jax.experimental.pallas import tpu_sc as plsc

N = 50000
E = 800000
F_IN = 128
H = 64
HH = 32
NC = 2
NS = 16
CH = 640
OUTER = 4
CPW = 80
EP = NS * CPW * CH
NOUT = CPW // OUTER
R = 2048
R4 = R // 4
R16 = R // 16
GRID = (N + R - 1) // R
NPP = GRID * R
NPP4 = NPP // 4
NPP16 = NPP // 16
RPW = NPP // NS

_f32 = jnp.float32


def _dot_t(a, w):
    return lax.dot_general(a, w, (((1,), (1,)), ((), ())),
                           preferred_element_type=_f32)



def _sc_mesh():
    return plsc.VectorSubcoreMesh(core_axis_name="c", subcore_axis_name="s",
                                  num_cores=NC, num_subcores=NS)


def _sc_count_body(dsts, z8, ones8, cnt_out, dst_v, ones_v, cacc):
    c = lax.axis_index("c")
    s = lax.axis_index("s")
    pltpu.sync_copy(z8.at[pl.ds(s * RPW, RPW)], cacc.at[pl.ds(s * RPW, RPW)])
    pltpu.sync_copy(ones8, ones_v)
    plsc.subcore_barrier()

    def outer(o, carry):
        r0 = o * OUTER
        pltpu.sync_copy(dsts.at[s, pl.ds(r0, OUTER)], dst_v)

        def inner(j, carry2):
            @pl.when((j % 2) == c)
            def _():
                pltpu.sync_copy(ones_v, cacc.at[dst_v.at[j]], add=True)

            return carry2

        return lax.fori_loop(0, OUTER, inner, carry)

    lax.fori_loop(0, NOUT, outer, 0)
    plsc.subcore_barrier()
    pltpu.sync_copy(cacc.at[pl.ds(s * RPW, RPW)],
                    cnt_out.at[c, pl.ds(s * RPW, RPW)])


def _sc_agg_body(hcat, srcs, dsts, z32, sum_out, src_v, dst_v, rows_v, acc,
                 sem0, sem1):
    c = lax.axis_index("c")
    s = lax.axis_index("s")
    pltpu.sync_copy(z32.at[pl.ds(s * RPW, RPW)], acc.at[pl.ds(s * RPW, RPW)])
    plsc.subcore_barrier()

    def outer(o, carry):
        r0 = o * OUTER
        pltpu.sync_copy(srcs.at[c, s, pl.ds(r0, OUTER)], src_v)
        pltpu.sync_copy(dsts.at[s, pl.ds(r0, OUTER)], dst_v)

        def inner(j, carry2):
            pltpu.async_copy(hcat.at[src_v.at[j]], rows_v.at[0], sem0).wait()
            pltpu.sync_copy(rows_v.at[0], acc.at[dst_v.at[j]], add=True)
            return carry2

        return lax.fori_loop(0, OUTER, inner, carry)

    lax.fori_loop(0, NOUT, outer, 0)
    plsc.subcore_barrier()
    pltpu.sync_copy(acc.at[pl.ds(s * RPW, RPW)],
                    sum_out.at[c, pl.ds(s * RPW, RPW)])


def _sc_count(dsts, z8, ones8):
    return pl.kernel(
        _sc_count_body,
        out_type=jax.ShapeDtypeStruct((NC, NPP, 8), _f32),
        mesh=_sc_mesh(),
        compiler_params=pltpu.CompilerParams(use_tc_tiling_on_sc=False),
        scratch_types=[
            pltpu.VMEM((OUTER, CH), jnp.int32),
            pltpu.VMEM((CH, 8), _f32),
            pltpu.VMEM_SHARED((NPP, 8), _f32),
        ],
    )(dsts, z8, ones8)


def _sc_agg(hcat, srcs, dsts, z32):
    return pl.kernel(
        _sc_agg_body,
        out_type=jax.ShapeDtypeStruct((NC, NPP, HH), _f32),
        mesh=_sc_mesh(),
        compiler_params=pltpu.CompilerParams(use_tc_tiling_on_sc=False),
        scratch_types=[
            pltpu.VMEM((OUTER, CH), jnp.int32),
            pltpu.VMEM((OUTER, CH), jnp.int32),
            pltpu.VMEM((1, CH, HH), _f32),
            pltpu.VMEM_SHARED((NPP, HH), _f32),
            pltpu.SemaphoreType.DMA,
            pltpu.SemaphoreType.DMA,
        ],
    )(hcat, srcs, dsts, z32)



def _pack4(h32):
    return jnp.concatenate([h32[j * R4:(j + 1) * R4] for j in range(4)],
                           axis=-1)


def _unpack4(p128):
    return jnp.concatenate([p128[:, 32 * j:32 * (j + 1)] for j in range(4)],
                           axis=0)


def _unpack16(p128):
    return jnp.concatenate([p128[:, 8 * j:8 * (j + 1)] for j in range(16)],
                           axis=0)


def _mlp_in_body(x_ref, wp_ref, bp_ref, out_ref):
    y = _dot_t(x_ref[...], wp_ref[...])
    h = jnp.maximum(y + bp_ref[...], 0.0)
    out_ref[0] = _pack4(h[:, :HH])
    out_ref[1] = _pack4(h[:, HH:])


_mlp_in = pl.pallas_call(
    _mlp_in_body,
    grid=(GRID,),
    in_specs=[
        pl.BlockSpec((R, F_IN), lambda i: (i, 0)),
        pl.BlockSpec((H, F_IN), lambda i: (0, 0)),
        pl.BlockSpec((1, H), lambda i: (0, 0)),
    ],
    out_specs=pl.BlockSpec((NC, R4, 128), lambda i: (0, i, 0)),
    out_shape=jax.ShapeDtypeStruct((NC, NPP4, 128), _f32),
)


def _layer_math(sum_ref, cnt_ref, h_ref, wl_ref, bl_ref, wr_ref, g_ref,
                be_ref):
    sm = jnp.concatenate([_unpack4(sum_ref[0]), _unpack4(sum_ref[1])],
                         axis=-1)
    cnt = _unpack16(cnt_ref[0] + cnt_ref[1])[:, 0:1]
    mean = sm / jnp.maximum(cnt, 1.0)
    h = jnp.concatenate([_unpack4(h_ref[0]), _unpack4(h_ref[1])], axis=-1)
    y = _dot_t(mean, wl_ref[...]) + bl_ref[...] + _dot_t(h, wr_ref[...])
    mu = jnp.mean(y, axis=-1, keepdims=True)
    var = jnp.mean((y - mu) ** 2, axis=-1, keepdims=True)
    y = (y - mu) / jnp.sqrt(var + 1e-5) * g_ref[...] + be_ref[...]
    return jnp.maximum(y, 0.0) + h


def _dense_layer_body(sum_ref, cnt_ref, h_ref, wl_ref, bl_ref, wr_ref, g_ref,
                      be_ref, out_ref):
    y = _layer_math(sum_ref, cnt_ref, h_ref, wl_ref, bl_ref, wr_ref, g_ref,
                    be_ref)
    out_ref[0] = _pack4(y[:, :HH])
    out_ref[1] = _pack4(y[:, HH:])


def _dense_final_body(sum_ref, cnt_ref, h_ref, wl_ref, bl_ref, wr_ref, g_ref,
                      be_ref, w1_ref, b1_ref, w2_ref, b2_ref, out_ref):
    y = _layer_math(sum_ref, cnt_ref, h_ref, wl_ref, bl_ref, wr_ref, g_ref,
                    be_ref)
    r1 = jnp.maximum(_dot_t(y, w1_ref[...]) + b1_ref[...], 0.0)
    out_ref[...] = (jnp.sum(r1 * w2_ref[...], axis=-1, keepdims=True)
                    + b2_ref[0, 0])


def _spec_half():
    return pl.BlockSpec((NC, R4, 128), lambda i: (0, i, 0))


def _spec_cnt():
    return pl.BlockSpec((NC, R16, 128), lambda i: (0, i, 0))


def _spec_w(shape):
    nd = len(shape)
    return pl.BlockSpec(shape, (lambda i: (0, 0)) if nd == 2 else
                        (lambda i: (0,)))


_dense_layer = pl.pallas_call(
    _dense_layer_body,
    grid=(GRID,),
    in_specs=[
        _spec_half(), _spec_cnt(), _spec_half(),
        _spec_w((H, H)), _spec_w((1, H)), _spec_w((H, H)),
        _spec_w((1, H)), _spec_w((1, H)),
    ],
    out_specs=pl.BlockSpec((NC, R4, 128), lambda i: (0, i, 0)),
    out_shape=jax.ShapeDtypeStruct((NC, NPP4, 128), _f32),
)

_dense_final = pl.pallas_call(
    _dense_final_body,
    grid=(GRID,),
    in_specs=[
        _spec_half(), _spec_cnt(), _spec_half(),
        _spec_w((H, H)), _spec_w((1, H)), _spec_w((H, H)),
        _spec_w((1, H)), _spec_w((1, H)),
        _spec_w((HH, H)), _spec_w((1, HH)), _spec_w((1, HH)),
        _spec_w((1, 1)),
    ],
    out_specs=pl.BlockSpec((R, 1), lambda i: (i, 0)),
    out_shape=jax.ShapeDtypeStruct((N, 1), _f32),
)



def _perm_f(n):
    blk = (n // R) * R
    return blk + (n % R4) * 4 + (n % R) // R4


def _perm_g(n):
    blk = (n // R) * R
    return blk + (n % R16) * 16 + (n % R) // R16


def kernel(x, edge_index, Wp, bp, Wl0, bl0, Wr0, g0, be0, Wl1, bl1, Wr1, g1,
           be1, W1, b1, W2, b2):
    src = edge_index[0]
    dst = edge_index[1]
    npad = EP - E
    pad_i = jnp.arange(npad, dtype=jnp.int32)
    dummy_f = NPP - R + 3 + 4 * (pad_i % R4)
    dummy_g = NPP - R + 15 + 16 * (pad_i % R16)
    fs = jnp.concatenate([_perm_f(src), dummy_f])
    fd = jnp.concatenate([_perm_f(dst), dummy_f])
    gd = jnp.concatenate([_perm_g(dst), dummy_g])
    srcs = jnp.stack([fs, fs + NPP]).reshape(NC, NS, CPW, CH)
    dsts = fd.reshape(NS, CPW, CH)
    dstsg = gd.reshape(NS, CPW, CH)
    z32 = jnp.zeros((NPP4, 128), _f32).reshape(NPP, HH)
    z8 = jnp.zeros((NPP16, 128), _f32).reshape(NPP, 8)
    ones8 = jnp.ones((CH * 8 // 128, 128), _f32).reshape(CH, 8)

    h2p = _mlp_in(x, Wp, bp.reshape(1, H))
    cnt8 = _sc_count(dstsg, z8, ones8).reshape(NC, NPP16, 128)
    sums0 = _sc_agg(h2p.reshape(NC * NPP, HH), srcs, dsts, z32)
    h2p = _dense_layer(sums0.reshape(NC, NPP4, 128), cnt8, h2p, Wl0,
                       bl0.reshape(1, H), Wr0, g0.reshape(1, H),
                       be0.reshape(1, H))
    sums1 = _sc_agg(h2p.reshape(NC * NPP, HH), srcs, dsts, z32)
    out = _dense_final(sums1.reshape(NC, NPP4, 128), cnt8, h2p, Wl1,
                       bl1.reshape(1, H), Wr1, g1.reshape(1, H),
                       be1.reshape(1, H), W1, b1.reshape(1, HH),
                       W2.reshape(1, HH), b2.reshape(1, 1))
    return out[:, 0]

# --- scband reference (transcript-rebuilt; emitter-appended) ---
"""Pipeline reference for scband-earthquake-graph-sage-18949395710312 (READ-ONLY COPY).

The authoritative reference and input builder live on the scoring server;
editing this copy changes nothing except your own understanding.
"""

import jax, jax.numpy as jnp
import numpy as np

N = 50000
E = 800000
F_IN = 128
H = 64


def setup_inputs(seed: int = 0) -> dict:
    key = jax.random.key(seed)
    ks = jax.random.split(key, 20)
    s = 0.1
    inp = {}
    inp["x"] = jax.random.normal(ks[0], (N, F_IN), dtype=jnp.float32)
    inp["edge_index"] = jax.random.randint(ks[1], (2, E), 0, N, dtype=jnp.int32)
    inp["Wp"] = jax.random.normal(ks[2], (H, F_IN), dtype=jnp.float32) * s
    inp["bp"] = jnp.zeros((H,), dtype=jnp.float32)
    inp["Wl0"] = jax.random.normal(ks[3], (H, H), dtype=jnp.float32) * s
    inp["bl0"] = jnp.zeros((H,), dtype=jnp.float32)
    inp["Wr0"] = jax.random.normal(ks[4], (H, H), dtype=jnp.float32) * s
    inp["g0"] = jnp.ones((H,), dtype=jnp.float32)
    inp["be0"] = jnp.zeros((H,), dtype=jnp.float32)
    inp["Wl1"] = jax.random.normal(ks[5], (H, H), dtype=jnp.float32) * s
    inp["bl1"] = jnp.zeros((H,), dtype=jnp.float32)
    inp["Wr1"] = jax.random.normal(ks[6], (H, H), dtype=jnp.float32) * s
    inp["g1"] = jnp.ones((H,), dtype=jnp.float32)
    inp["be1"] = jnp.zeros((H,), dtype=jnp.float32)
    inp["W1"] = jax.random.normal(ks[7], (H // 2, H), dtype=jnp.float32) * s
    inp["b1"] = jnp.zeros((H // 2,), dtype=jnp.float32)
    inp["W2"] = jax.random.normal(ks[8], (1, H // 2), dtype=jnp.float32) * s
    inp["b2"] = jnp.zeros((1,), dtype=jnp.float32)
    return inp


def _layer_norm(h, g, b):
    mu = jnp.mean(h, axis=-1, keepdims=True)
    var = jnp.mean((h - mu) ** 2, axis=-1, keepdims=True)
    return (h - mu) / jnp.sqrt(var + 1e-5) * g + b


def _sage_conv(h, src, dst, Wl, bl, Wr):
    msg = jnp.take(h, src, axis=0)
    summed = jax.ops.segment_sum(msg, dst, num_segments=N)
    cnt = jax.ops.segment_sum(jnp.ones((msg.shape[0],), h.dtype), dst, num_segments=N)
    mean = summed / jnp.maximum(cnt, 1.0)[:, None]
    return mean @ Wl.T + bl + h @ Wr.T


def reference(x, edge_index, Wp, bp, Wl0, bl0, Wr0, g0, be0, Wl1, bl1, Wr1, g1, be1, W1, b1, W2, b2):
    src = edge_index[0]
    dst = edge_index[1]
    h = jax.nn.relu(x @ Wp.T + bp)
    # layer 0 (dropout is identity in eval mode)
    identity = h
    h = _sage_conv(h, src, dst, Wl0, bl0, Wr0)
    h = _layer_norm(h, g0, be0)
    h = jax.nn.relu(h)
    h = h + identity
    # layer 1
    identity = h
    h = _sage_conv(h, src, dst, Wl1, bl1, Wr1)
    h = _layer_norm(h, g1, be1)
    h = jax.nn.relu(h)
    h = h + identity
    h = jax.nn.relu(h @ W1.T + b1)
    out = h @ W2.T + b2
    return out.squeeze(-1)

if __name__ == "__main__":
    import jax
    _d = setup_inputs()
    print(jax.jit(kernel)(*tuple(_d.values())))

</pallas_src>

<mosaic_0001>
#map = affine_map<(d0, d1) -> (0, 0)>
#map1 = affine_map<(d0, d1) -> (0, 0, 0, 0)>
#map2 = affine_map<(d0, d1) -> (0, 0, 0)>
module attributes {stable_mosaic.version = 14 : i64} {
  func.func @_sc_agg_body(%arg0: i32, %arg1: i32, %arg2: memref<102400x32xf32, #tpu.memory_space<hbm>>, %arg3: memref<2x16x80x640xi32, #tpu.memory_space<hbm>>, %arg4: memref<16x80x640xi32, #tpu.memory_space<hbm>>, %arg5: memref<51200x32xf32, #tpu.memory_space<hbm>>, %arg6: memref<2x51200x32xf32, #tpu.memory_space<hbm>>, %arg7: memref<4x640xi32, #tpu.memory_space<vmem>>, %arg8: memref<4x640xi32, #tpu.memory_space<vmem>>, %arg9: memref<1x640x32xf32, #tpu.memory_space<vmem>>, %arg10: memref<51200x32xf32, #tpu.memory_space<vmem_shared>>, %arg11: memref<!tpu.dma_semaphore, #tpu.memory_space<semaphore_mem>>, %arg12: memref<!tpu.dma_semaphore, #tpu.memory_space<semaphore_mem>>) attributes {dimension_semantics = [#tpu.dimension_semantics<core_parallel>, #tpu.dimension_semantics<subcore_parallel>], iteration_bounds = array<i64: 2, 16>, scalar_prefetch = 0 : i64, scratch_operands = 6 : i64, tpu.core_type = #tpu.core_type<sc_vector_subcore>, window_params = [{transform_indices = #map}, {transform_indices = #map1}, {transform_indices = #map2}, {transform_indices = #map}, {transform_indices = #map2}]} {
    %mul3A = arith.constant 3200 : i32
    %mul3A_0 = arith.muli %arg1, %mul3A : i32
    %mul3A_1 = arith.constant 3200 : i32
    %mul3A_2 = arith.muli %arg1, %mul3A_1 : i32
    "tpu.region"() ({
      %run_scoped3A = tpu.sem_alloc : memref<!tpu.dma_semaphore, #tpu.memory_space<semaphore_mem>>
      %dma_start3A = arith.constant 0 : i32
      %dma_start3A_13 = tpu.memref_slice %arg10[%mul3A_2, %dma_start3A] : memref<51200x32xf32, #tpu.memory_space<vmem_shared>> -> memref<3200x32xf32, #tpu.memory_space<vmem_shared>>
      %dma_start3A_14 = arith.constant 0 : i32
      %dma_start3A_15 = tpu.memref_slice %arg5[%mul3A_0, %dma_start3A_14] : memref<51200x32xf32, #tpu.memory_space<hbm>> -> memref<3200x32xf32, #tpu.memory_space<hbm>>
      tpu.enqueue_dma source(%dma_start3A_15 : memref<3200x32xf32, #tpu.memory_space<hbm>>) target(%dma_start3A_13 : memref<3200x32xf32, #tpu.memory_space<vmem_shared>>) target_semaphore(%run_scoped3A : memref<!tpu.dma_semaphore, #tpu.memory_space<semaphore_mem>>)
      %dma_wait3A = arith.constant 0 : i32
      %dma_wait3A_16 = tpu.memref_slice %arg10[%mul3A_2, %dma_wait3A] : memref<51200x32xf32, #tpu.memory_space<vmem_shared>> -> memref<3200x32xf32, #tpu.memory_space<vmem_shared>>
      %dma_wait3A_17 = arith.constant 0 : i32
      %dma_wait3A_18 = tpu.memref_slice %arg5[%mul3A_0, %dma_wait3A_17] : memref<51200x32xf32, #tpu.memory_space<hbm>> -> memref<3200x32xf32, #tpu.memory_space<hbm>>
      tpu.wait_dma2 semaphore(%run_scoped3A : memref<!tpu.dma_semaphore, #tpu.memory_space<semaphore_mem>>) src(%dma_wait3A_18 : memref<3200x32xf32, #tpu.memory_space<hbm>>) dst(%dma_wait3A_16 : memref<3200x32xf32, #tpu.memory_space<vmem_shared>>)
      tpu.yield
    }) : () -> ()
    %barrier3A = arith.constant 0 : index
    tpu.barrier barrier_id(%barrier3A)
    %scan3A = arith.constant 0 : i32
    %scan3A_3 = arith.constant 0 : i32
    %scan3A_4 = arith.constant 20 : i32
    %scan3A_5 = arith.addi %scan3A_3, %scan3A_4 : i32
    %scan3A_6 = arith.constant 1 : i32
    scf.for %scan3A_13 = %scan3A_3 to %scan3A_5 step %scan3A_6  : i32 {
      %mul3A_14 = arith.constant 4 : i32
      %mul3A_15 = arith.muli %scan3A_13, %mul3A_14 : i32
      "tpu.region"() ({
        %run_scoped3A = tpu.sem_alloc : memref<!tpu.dma_semaphore, #tpu.memory_space<semaphore_mem>>
        %dma_start3A = arith.constant 0 : i32
        %dma_start3A_21 = tpu.memref_slice %arg3[%arg0, %arg1, %mul3A_15, %dma_start3A] : memref<2x16x80x640xi32, #tpu.memory_space<hbm>> -> memref<1x1x4x640xi32, #tpu.memory_space<hbm>>
        %dma_start3A_22 = tpu.memref_squeeze %dma_start3A_21 : memref<1x1x4x640xi32, #tpu.memory_space<hbm>> -> memref<4x640xi32, #tpu.memory_space<hbm>>
        %dma_start3A_23 = arith.constant 0 : i32
        %dma_start3A_24 = tpu.memref_slice %arg3[%arg0, %arg1, %mul3A_15, %dma_start3A_23] : memref<2x16x80x640xi32, #tpu.memory_space<hbm>> -> memref<1x1x4x640xi32, #tpu.memory_space<hbm>>
        %dma_start3A_25 = tpu.memref_squeeze %dma_start3A_24 : memref<1x1x4x640xi32, #tpu.memory_space<hbm>> -> memref<4x640xi32, #tpu.memory_space<hbm>>
        tpu.enqueue_dma source(%dma_start3A_25 : memref<4x640xi32, #tpu.memory_space<hbm>>) target(%arg7 : memref<4x640xi32, #tpu.memory_space<vmem>>) target_semaphore(%run_scoped3A : memref<!tpu.dma_semaphore, #tpu.memory_space<semaphore_mem>>)
        %dma_wait3A = arith.constant 0 : i32
        %dma_wait3A_26 = tpu.memref_slice %arg3[%arg0, %arg1, %mul3A_15, %dma_wait3A] : memref<2x16x80x640xi32, #tpu.memory_space<hbm>> -> memref<1x1x4x640xi32, #tpu.memory_space<hbm>>
        %dma_wait3A_27 = tpu.memref_squeeze %dma_wait3A_26 : memref<1x1x4x640xi32, #tpu.memory_space<hbm>> -> memref<4x640xi32, #tpu.memory_space<hbm>>
        %dma_wait3A_28 = arith.constant 0 : i32
        %dma_wait3A_29 = tpu.memref_slice %arg3[%arg0, %arg1, %mul3A_15, %dma_wait3A_28] : memref<2x16x80x640xi32, #tpu.memory_space<hbm>> -> memref<1x1x4x640xi32, #tpu.memory_space<hbm>>
        %dma_wait3A_30 = tpu.memref_squeeze %dma_wait3A_29 : memref<1x1x4x640xi32, #tpu.memory_space<hbm>> -> memref<4x640xi32, #tpu.memory_space<hbm>>
        tpu.wait_dma2 semaphore(%run_scoped3A : memref<!tpu.dma_semaphore, #tpu.memory_space<semaphore_mem>>) src(%dma_wait3A_30 : memref<4x640xi32, #tpu.memory_space<hbm>>) dst(%arg7 : memref<4x640xi32, #tpu.memory_space<vmem>>)
        tpu.yield
      }) : () -> ()
      "tpu.region"() ({
        %run_scoped3A = tpu.sem_alloc : memref<!tpu.dma_semaphore, #tpu.memory_space<semaphore_mem>>
        %dma_start3A = arith.constant 0 : i32
        %dma_start3A_21 = tpu.memref_slice %arg4[%arg1, %mul3A_15, %dma_start3A] : memref<16x80x640xi32, #tpu.memory_space<hbm>> -> memref<1x4x640xi32, #tpu.memory_space<hbm>>
        %dma_start3A_22 = tpu.memref_squeeze %dma_start3A_21 : memref<1x4x640xi32, #tpu.memory_space<hbm>> -> memref<4x640xi32, #tpu.memory_space<hbm>>
        %dma_start3A_23 = arith.constant 0 : i32
        %dma_start3A_24 = tpu.memref_slice %arg4[%arg1, %mul3A_15, %dma_start3A_23] : memref<16x80x640xi32, #tpu.memory_space<hbm>> -> memref<1x4x640xi32, #tpu.memory_space<hbm>>
        %dma_start3A_25 = tpu.memref_squeeze %dma_start3A_24 : memref<1x4x640xi32, #tpu.memory_space<hbm>> -> memref<4x640xi32, #tpu.memory_space<hbm>>
        tpu.enqueue_dma source(%dma_start3A_25 : memref<4x640xi32, #tpu.memory_space<hbm>>) target(%arg8 : memref<4x640xi32, #tpu.memory_space<vmem>>) target_semaphore(%run_scoped3A : memref<!tpu.dma_semaphore, #tpu.memory_space<semaphore_mem>>)
        %dma_wait3A = arith.constant 0 : i32
        %dma_wait3A_26 = tpu.memref_slice %arg4[%arg1, %mul3A_15, %dma_wait3A] : memref<16x80x640xi32, #tpu.memory_space<hbm>> -> memref<1x4x640xi32, #tpu.memory_space<hbm>>
        %dma_wait3A_27 = tpu.memref_squeeze %dma_wait3A_26 : memref<1x4x640xi32, #tpu.memory_space<hbm>> -> memref<4x640xi32, #tpu.memory_space<hbm>>
        %dma_wait3A_28 = arith.constant 0 : i32
        %dma_wait3A_29 = tpu.memref_slice %arg4[%arg1, %mul3A_15, %dma_wait3A_28] : memref<16x80x640xi32, #tpu.memory_space<hbm>> -> memref<1x4x640xi32, #tpu.memory_space<hbm>>
        %dma_wait3A_30 = tpu.memref_squeeze %dma_wait3A_29 : memref<1x4x640xi32, #tpu.memory_space<hbm>> -> memref<4x640xi32, #tpu.memory_space<hbm>>
        tpu.wait_dma2 semaphore(%run_scoped3A : memref<!tpu.dma_semaphore, #tpu.memory_space<semaphore_mem>>) src(%dma_wait3A_30 : memref<4x640xi32, #tpu.memory_space<hbm>>) dst(%arg8 : memref<4x640xi32, #tpu.memory_space<vmem>>)
        tpu.yield
      }) : () -> ()
      %scan3A_16 = arith.constant 0 : i32
      %scan3A_17 = arith.constant 4 : i32
      %scan3A_18 = arith.addi %scan3A_16, %scan3A_17 : i32
      %scan3A_19 = arith.constant 1 : i32
      scf.for %scan3A_21 = %scan3A_16 to %scan3A_18 step %scan3A_19  : i32 {
        %dma_start3A = arith.constant 0 : i32
        %dma_start3A_22 = arith.constant 0 : i32
        %dma_start3A_23 = arith.constant 0 : i32
        %dma_start3A_24 = tpu.memref_slice %arg9[%dma_start3A, %dma_start3A_22, %dma_start3A_23] : memref<1x640x32xf32, #tpu.memory_space<vmem>> -> memref<1x640x32xf32, #tpu.memory_space<vmem>>
        %dma_start3A_25 = tpu.memref_squeeze %dma_start3A_24 : memref<1x640x32xf32, #tpu.memory_space<vmem>> -> memref<640x32xf32, #tpu.memory_space<vmem>>
        %dma_start3A_26 = arith.constant 0 : i32
        %dma_start3A_27 = tpu.memref_slice %arg7[%scan3A_21, %dma_start3A_26] : memref<4x640xi32, #tpu.memory_space<vmem>> -> memref<1x640xi32, #tpu.memory_space<vmem>>
        %dma_start3A_28 = tpu.memref_squeeze %dma_start3A_27 : memref<1x640xi32, #tpu.memory_space<vmem>> -> memref<640xi32, #tpu.memory_space<vmem>>
        %dma_start3A_29 = arith.constant 0 : i32
        %dma_start3A_30 = arith.constant 0 : i32
        %dma_start3A_31 = tpu.memref_slice %arg2[%dma_start3A_29, %dma_start3A_30] : memref<102400x32xf32, #tpu.memory_space<hbm>> -> memref<102400x32xf32, #tpu.memory_space<hbm>>
        tpu.enqueue_indirect_dma source(%dma_start3A_31 : memref<102400x32xf32, #tpu.memory_space<hbm>>) target(%dma_start3A_25 : memref<640x32xf32, #tpu.memory_space<vmem>>) offsets(%dma_start3A_28 : memref<640xi32, #tpu.memory_space<vmem>>) semaphore(%arg11 : memref<!tpu.dma_semaphore, #tpu.memory_space<semaphore_mem>>)
        %dma_wait3A = arith.constant 0 : i32
        %dma_wait3A_32 = arith.constant 0 : i32
        %dma_wait3A_33 = arith.constant 0 : i32
        %dma_wait3A_34 = tpu.memref_slice %arg9[%dma_wait3A, %dma_wait3A_32, %dma_wait3A_33] : memref<1x640x32xf32, #tpu.memory_space<vmem>> -> memref<1x640x32xf32, #tpu.memory_space<vmem>>
        %dma_wait3A_35 = tpu.memref_squeeze %dma_wait3A_34 : memref<1x640x32xf32, #tpu.memory_space<vmem>> -> memref<640x32xf32, #tpu.memory_space<vmem>>
        %dma_wait3A_36 = arith.constant 0 : i32
        %dma_wait3A_37 = tpu.memref_slice %arg7[%scan3A_21, %dma_wait3A_36] : memref<4x640xi32, #tpu.memory_space<vmem>> -> memref<1x640xi32, #tpu.memory_space<vmem>>
        %dma_wait3A_38 = tpu.memref_squeeze %dma_wait3A_37 : memref<1x640xi32, #tpu.memory_space<vmem>> -> memref<640xi32, #tpu.memory_space<vmem>>
        %dma_wait3A_39 = arith.constant 0 : i32
        %dma_wait3A_40 = arith.constant 0 : i32
        %dma_wait3A_41 = tpu.memref_slice %arg2[%dma_wait3A_39, %dma_wait3A_40] : memref<102400x32xf32, #tpu.memory_space<hbm>> -> memref<102400x32xf32, #tpu.memory_space<hbm>>
        tpu.wait_indirect_dma semaphore(%arg11 : memref<!tpu.dma_semaphore, #tpu.memory_space<semaphore_mem>>) src(%dma_wait3A_41 : memref<102400x32xf32, #tpu.memory_space<hbm>>) dst(%dma_wait3A_35 : memref<640x32xf32, #tpu.memory_space<vmem>>)
        %run_scoped3A = arith.constant 0 : i32
        "tpu.region"() ({
          %run_scoped3A_42 = tpu.sem_alloc : memref<!tpu.dma_semaphore, #tpu.memory_space<semaphore_mem>>
          %dma_start3A_43 = arith.constant 0 : i32
          %dma_start3A_44 = arith.constant 0 : i32
          %dma_start3A_45 = tpu.memref_slice %arg9[%run_scoped3A, %dma_start3A_43, %dma_start3A_44] : memref<1x640x32xf32, #tpu.memory_space<vmem>> -> memref<1x640x32xf32, #tpu.memory_space<vmem>>
          %dma_start3A_46 = tpu.memref_squeeze %dma_start3A_45 : memref<1x640x32xf32, #tpu.memory_space<vmem>> -> memref<640x32xf32, #tpu.memory_space<vmem>>
          %dma_start3A_47 = arith.constant 0 : i32
          %dma_start3A_48 = tpu.memref_slice %arg8[%scan3A_21, %dma_start3A_47] : memref<4x640xi32, #tpu.memory_space<vmem>> -> memref<1x640xi32, #tpu.memory_space<vmem>>
          %dma_start3A_49 = tpu.memref_squeeze %dma_start3A_48 : memref<1x640xi32, #tpu.memory_space<vmem>> -> memref<640xi32, #tpu.memory_space<vmem>>
          %dma_start3A_50 = arith.constant 0 : i32
          %dma_start3A_51 = arith.constant 0 : i32
          %dma_start3A_52 = tpu.memref_slice %arg10[%dma_start3A_50, %dma_start3A_51] : memref<51200x32xf32, #tpu.memory_space<vmem_shared>> -> memref<51200x32xf32, #tpu.memory_space<vmem_shared>>
          tpu.enqueue_indirect_dma source(%dma_start3A_46 : memref<640x32xf32, #tpu.memory_space<vmem>>) target(%dma_start3A_52 : memref<51200x32xf32, #tpu.memory_space<vmem_shared>>) offsets(%dma_start3A_49 : memref<640xi32, #tpu.memory_space<vmem>>) semaphore(%run_scoped3A_42 : memref<!tpu.dma_semaphore, #tpu.memory_space<semaphore_mem>>) {add = true}
          %dma_wait3A_53 = arith.constant 0 : i32
          %dma_wait3A_54 = arith.constant 0 : i32
          %dma_wait3A_55 = tpu.memref_slice %arg9[%run_scoped3A, %dma_wait3A_53, %dma_wait3A_54] : memref<1x640x32xf32, #tpu.memory_space<vmem>> -> memref<1x640x32xf32, #tpu.memory_space<vmem>>
          %dma_wait3A_56 = tpu.memref_squeeze %dma_wait3A_55 : memref<1x640x32xf32, #tpu.memory_space<vmem>> -> memref<640x32xf32, #tpu.memory_space<vmem>>
          %dma_wait3A_57 = arith.constant 0 : i32
          %dma_wait3A_58 = tpu.memref_slice %arg8[%scan3A_21, %dma_wait3A_57] : memref<4x640xi32, #tpu.memory_space<vmem>> -> memref<1x640xi32, #tpu.memory_space<vmem>>
          %dma_wait3A_59 = tpu.memref_squeeze %dma_wait3A_58 : memref<1x640xi32, #tpu.memory_space<vmem>> -> memref<640xi32, #tpu.memory_space<vmem>>
          %dma_wait3A_60 = arith.constant 0 : i32
          %dma_wait3A_61 = arith.constant 0 : i32
          %dma_wait3A_62 = tpu.memref_slice %arg10[%dma_wait3A_60, %dma_wait3A_61] : memref<51200x32xf32, #tpu.memory_space<vmem_shared>> -> memref<51200x32xf32, #tpu.memory_space<vmem_shared>>
          tpu.wait_indirect_dma semaphore(%run_scoped3A_42 : memref<!tpu.dma_semaphore, #tpu.memory_space<semaphore_mem>>) src(%dma_wait3A_56 : memref<640x32xf32, #tpu.memory_space<vmem>>) dst(%dma_wait3A_62 : memref<51200x32xf32, #tpu.memory_space<vmem_shared>>)
          tpu.yield
        }) : () -> ()
      }
      %scan3A_20 = arith.constant 4 : i32
    }
    %scan3A_7 = arith.constant 20 : i32
    %barrier3A_8 = arith.constant 0 : index
    tpu.barrier barrier_id(%barrier3A_8)
    %mul3A_9 = arith.constant 3200 : i32
    %mul3A_10 = arith.muli %arg1, %mul3A_9 : i32
    %mul3A_11 = arith.constant 3200 : i32
    %mul3A_12 = arith.muli %arg1, %mul3A_11 : i32
    "tpu.region"() ({
      %run_scoped3A = tpu.sem_alloc : memref<!tpu.dma_semaphore, #tpu.memory_space<semaphore_mem>>
      %dma_start3A = arith.constant 0 : i32
      %dma_start3A_13 = tpu.memref_slice %arg6[%arg0, %mul3A_12, %dma_start3A] : memref<2x51200x32xf32, #tpu.memory_space<hbm>> -> memref<1x3200x32xf32, #tpu.memory_space<hbm>>
      %dma_start3A_14 = tpu.memref_squeeze %dma_start3A_13 : memref<1x3200x32xf32, #tpu.memory_space<hbm>> -> memref<3200x32xf32, #tpu.memory_space<hbm>>
      %dma_start3A_15 = arith.constant 0 : i32
      %dma_start3A_16 = tpu.memref_slice %arg10[%mul3A_10, %dma_start3A_15] : memref<51200x32xf32, #tpu.memory_space<vmem_shared>> -> memref<3200x32xf32, #tpu.memory_space<vmem_shared>>
      tpu.enqueue_dma source(%dma_start3A_16 : memref<3200x32xf32, #tpu.memory_space<vmem_shared>>) target(%dma_start3A_14 : memref<3200x32xf32, #tpu.memory_space<hbm>>) target_semaphore(%run_scoped3A : memref<!tpu.dma_semaphore, #tpu.memory_space<semaphore_mem>>)
      %dma_wait3A = arith.constant 0 : i32
      %dma_wait3A_17 = tpu.memref_slice %arg6[%arg0, %mul3A_12, %dma_wait3A] : memref<2x51200x32xf32, #tpu.memory_space<hbm>> -> memref<1x3200x32xf32, #tpu.memory_space<hbm>>
      %dma_wait3A_18 = tpu.memref_squeeze %dma_wait3A_17 : memref<1x3200x32xf32, #tpu.memory_space<hbm>> -> memref<3200x32xf32, #tpu.memory_space<hbm>>
      %dma_wait3A_19 = arith.constant 0 : i32
      %dma_wait3A_20 = tpu.memref_slice %arg10[%mul3A_10, %dma_wait3A_19] : memref<51200x32xf32, #tpu.memory_space<vmem_shared>> -> memref<3200x32xf32, #tpu.memory_space<vmem_shared>>
      tpu.wait_dma2 semaphore(%run_scoped3A : memref<!tpu.dma_semaphore, #tpu.memory_space<semaphore_mem>>) src(%dma_wait3A_20 : memref<3200x32xf32, #tpu.memory_space<vmem_shared>>) dst(%dma_wait3A_18 : memref<3200x32xf32, #tpu.memory_space<hbm>>)
      tpu.yield
    }) : () -> ()
    return
  }
}

#map = affine_map<(d0, d1) -> (0, 0)>
#map1 = affine_map<(d0, d1) -> (0, 0, 0, 0)>
#map2 = affine_map<(d0, d1) -> (0, 0, 0)>
module attributes {stable_mosaic.version = 14 : i64} {
  func.func @_sc_agg_body(%arg0: i32, %arg1: i32, %arg2: memref<102400x32xf32, #tpu.memory_space<hbm>>, %arg3: memref<2x16x80x640xi32, #tpu.memory_space<hbm>>, %arg4: memref<16x80x640xi32, #tpu.memory_space<hbm>>, %arg5: memref<51200x32xf32, #tpu.memory_space<hbm>>, %arg6: memref<2x51200x32xf32, #tpu.memory_space<hbm>>, %arg7: memref<4x640xi32, #tpu.memory_space<vmem>>, %arg8: memref<4x640xi32, #tpu.memory_space<vmem>>, %arg9: memref<1x640x32xf32, #tpu.memory_space<vmem>>, %arg10: memref<51200x32xf32, #tpu.memory_space<vmem_shared>>, %arg11: memref<!tpu.dma_semaphore, #tpu.memory_space<semaphore_mem>>, %arg12: memref<!tpu.dma_semaphore, #tpu.memory_space<semaphore_mem>>) attributes {dimension_semantics = [#tpu.dimension_semantics<core_parallel>, #tpu.dimension_semantics<subcore_parallel>], iteration_bounds = array<i64: 2, 16>, scalar_prefetch = 0 : i64, scratch_operands = 6 : i64, tpu.core_type = #tpu.core_type<sc_vector_subcore>, window_params = [{transform_indices = #map}, {transform_indices = #map1}, {transform_indices = #map2}, {transform_indices = #map}, {transform_indices = #map2}]} {
    %mul3A = arith.constant 3200 : i32
    %mul3A_0 = arith.muli %arg1, %mul3A : i32
    %mul3A_1 = arith.constant 3200 : i32
    %mul3A_2 = arith.muli %arg1, %mul3A_1 : i32
    "tpu.region"() ({
      %run_scoped3A = tpu.sem_alloc : memref<!tpu.dma_semaphore, #tpu.memory_space<semaphore_mem>>
      %dma_start3A = arith.constant 0 : i32
      %dma_start3A_13 = tpu.memref_slice %arg10[%mul3A_2, %dma_start3A] : memref<51200x32xf32, #tpu.memory_space<vmem_shared>> -> memref<3200x32xf32, #tpu.memory_space<vmem_shared>>
      %dma_start3A_14 = arith.constant 0 : i32
      %dma_start3A_15 = tpu.memref_slice %arg5[%mul3A_0, %dma_start3A_14] : memref<51200x32xf32, #tpu.memory_space<hbm>> -> memref<3200x32xf32, #tpu.memory_space<hbm>>
      tpu.enqueue_dma source(%dma_start3A_15 : memref<3200x32xf32, #tpu.memory_space<hbm>>) target(%dma_start3A_13 : memref<3200x32xf32, #tpu.memory_space<vmem_shared>>) target_semaphore(%run_scoped3A : memref<!tpu.dma_semaphore, #tpu.memory_space<semaphore_mem>>)
      %dma_wait3A = arith.constant 0 : i32
      %dma_wait3A_16 = tpu.memref_slice %arg10[%mul3A_2, %dma_wait3A] : memref<51200x32xf32, #tpu.memory_space<vmem_shared>> -> memref<3200x32xf32, #tpu.memory_space<vmem_shared>>
      %dma_wait3A_17 = arith.constant 0 : i32
      %dma_wait3A_18 = tpu.memref_slice %arg5[%mul3A_0, %dma_wait3A_17] : memref<51200x32xf32, #tpu.memory_space<hbm>> -> memref<3200x32xf32, #tpu.memory_space<hbm>>
      tpu.wait_dma2 semaphore(%run_scoped3A : memref<!tpu.dma_semaphore, #tpu.memory_space<semaphore_mem>>) src(%dma_wait3A_18 : memref<3200x32xf32, #tpu.memory_space<hbm>>) dst(%dma_wait3A_16 : memref<3200x32xf32, #tpu.memory_space<vmem_shared>>)
      tpu.yield
    }) : () -> ()
    %barrier3A = arith.constant 0 : index
    tpu.barrier barrier_id(%barrier3A)
    %scan3A = arith.constant 0 : i32
    %scan3A_3 = arith.constant 0 : i32
    %scan3A_4 = arith.constant 20 : i32
    %scan3A_5 = arith.addi %scan3A_3, %scan3A_4 : i32
    %scan3A_6 = arith.constant 1 : i32
    scf.for %scan3A_13 = %scan3A_3 to %scan3A_5 step %scan3A_6  : i32 {
      %mul3A_14 = arith.constant 4 : i32
      %mul3A_15 = arith.muli %scan3A_13, %mul3A_14 : i32
      "tpu.region"() ({
        %run_scoped3A = tpu.sem_alloc : memref<!tpu.dma_semaphore, #tpu.memory_space<semaphore_mem>>
        %dma_start3A = arith.constant 0 : i32
        %dma_start3A_21 = tpu.memref_slice %arg3[%arg0, %arg1, %mul3A_15, %dma_start3A] : memref<2x16x80x640xi32, #tpu.memory_space<hbm>> -> memref<1x1x4x640xi32, #tpu.memory_space<hbm>>
        %dma_start3A_22 = tpu.memref_squeeze %dma_start3A_21 : memref<1x1x4x640xi32, #tpu.memory_space<hbm>> -> memref<4x640xi32, #tpu.memory_space<hbm>>
        %dma_start3A_23 = arith.constant 0 : i32
        %dma_start3A_24 = tpu.memref_slice %arg3[%arg0, %arg1, %mul3A_15, %dma_start3A_23] : memref<2x16x80x640xi32, #tpu.memory_space<hbm>> -> memref<1x1x4x640xi32, #tpu.memory_space<hbm>>
        %dma_start3A_25 = tpu.memref_squeeze %dma_start3A_24 : memref<1x1x4x640xi32, #tpu.memory_space<hbm>> -> memref<4x640xi32, #tpu.memory_space<hbm>>
        tpu.enqueue_dma source(%dma_start3A_25 : memref<4x640xi32, #tpu.memory_space<hbm>>) target(%arg7 : memref<4x640xi32, #tpu.memory_space<vmem>>) target_semaphore(%run_scoped3A : memref<!tpu.dma_semaphore, #tpu.memory_space<semaphore_mem>>)
        %dma_wait3A = arith.constant 0 : i32
        %dma_wait3A_26 = tpu.memref_slice %arg3[%arg0, %arg1, %mul3A_15, %dma_wait3A] : memref<2x16x80x640xi32, #tpu.memory_space<hbm>> -> memref<1x1x4x640xi32, #tpu.memory_space<hbm>>
        %dma_wait3A_27 = tpu.memref_squeeze %dma_wait3A_26 : memref<1x1x4x640xi32, #tpu.memory_space<hbm>> -> memref<4x640xi32, #tpu.memory_space<hbm>>
        %dma_wait3A_28 = arith.constant 0 : i32
        %dma_wait3A_29 = tpu.memref_slice %arg3[%arg0, %arg1, %mul3A_15, %dma_wait3A_28] : memref<2x16x80x640xi32, #tpu.memory_space<hbm>> -> memref<1x1x4x640xi32, #tpu.memory_space<hbm>>
        %dma_wait3A_30 = tpu.memref_squeeze %dma_wait3A_29 : memref<1x1x4x640xi32, #tpu.memory_space<hbm>> -> memref<4x640xi32, #tpu.memory_space<hbm>>
        tpu.wait_dma2 semaphore(%run_scoped3A : memref<!tpu.dma_semaphore, #tpu.memory_space<semaphore_mem>>) src(%dma_wait3A_30 : memref<4x640xi32, #tpu.memory_space<hbm>>) dst(%arg7 : memref<4x640xi32, #tpu.memory_space<vmem>>)
        tpu.yield
      }) : () -> ()
      "tpu.region"() ({
        %run_scoped3A = tpu.sem_alloc : memref<!tpu.dma_semaphore, #tpu.memory_space<semaphore_mem>>
        %dma_start3A = arith.constant 0 : i32
        %dma_start3A_21 = tpu.memref_slice %arg4[%arg1, %mul3A_15, %dma_start3A] : memref<16x80x640xi32, #tpu.memory_space<hbm>> -> memref<1x4x640xi32, #tpu.memory_space<hbm>>
        %dma_start3A_22 = tpu.memref_squeeze %dma_start3A_21 : memref<1x4x640xi32, #tpu.memory_space<hbm>> -> memref<4x640xi32, #tpu.memory_space<hbm>>
        %dma_start3A_23 = arith.constant 0 : i32
        %dma_start3A_24 = tpu.memref_slice %arg4[%arg1, %mul3A_15, %dma_start3A_23] : memref<16x80x640xi32, #tpu.memory_space<hbm>> -> memref<1x4x640xi32, #tpu.memory_space<hbm>>
        %dma_start3A_25 = tpu.memref_squeeze %dma_start3A_24 : memref<1x4x640xi32, #tpu.memory_space<hbm>> -> memref<4x640xi32, #tpu.memory_space<hbm>>
        tpu.enqueue_dma source(%dma_start3A_25 : memref<4x640xi32, #tpu.memory_space<hbm>>) target(%arg8 : memref<4x640xi32, #tpu.memory_space<vmem>>) target_semaphore(%run_scoped3A : memref<!tpu.dma_semaphore, #tpu.memory_space<semaphore_mem>>)
        %dma_wait3A = arith.constant 0 : i32
        %dma_wait3A_26 = tpu.memref_slice %arg4[%arg1, %mul3A_15, %dma_wait3A] : memref<16x80x640xi32, #tpu.memory_space<hbm>> -> memref<1x4x640xi32, #tpu.memory_space<hbm>>
        %dma_wait3A_27 = tpu.memref_squeeze %dma_wait3A_26 : memref<1x4x640xi32, #tpu.memory_space<hbm>> -> memref<4x640xi32, #tpu.memory_space<hbm>>
        %dma_wait3A_28 = arith.constant 0 : i32
        %dma_wait3A_29 = tpu.memref_slice %arg4[%arg1, %mul3A_15, %dma_wait3A_28] : memref<16x80x640xi32, #tpu.memory_space<hbm>> -> memref<1x4x640xi32, #tpu.memory_space<hbm>>
        %dma_wait3A_30 = tpu.memref_squeeze %dma_wait3A_29 : memref<1x4x640xi32, #tpu.memory_space<hbm>> -> memref<4x640xi32, #tpu.memory_space<hbm>>
        tpu.wait_dma2 semaphore(%run_scoped3A : memref<!tpu.dma_semaphore, #tpu.memory_space<semaphore_mem>>) src(%dma_wait3A_30 : memref<4x640xi32, #tpu.memory_space<hbm>>) dst(%arg8 : memref<4x640xi32, #tpu.memory_space<vmem>>)
        tpu.yield
      }) : () -> ()
      %scan3A_16 = arith.constant 0 : i32
      %scan3A_17 = arith.constant 4 : i32
      %scan3A_18 = arith.addi %scan3A_16, %scan3A_17 : i32
      %scan3A_19 = arith.constant 1 : i32
      scf.for %scan3A_21 = %scan3A_16 to %scan3A_18 step %scan3A_19  : i32 {
        %dma_start3A = arith.constant 0 : i32
        %dma_start3A_22 = arith.constant 0 : i32
        %dma_start3A_23 = arith.constant 0 : i32
        %dma_start3A_24 = tpu.memref_slice %arg9[%dma_start3A, %dma_start3A_22, %dma_start3A_23] : memref<1x640x32xf32, #tpu.memory_space<vmem>> -> memref<1x640x32xf32, #tpu.memory_space<vmem>>
        %dma_start3A_25 = tpu.memref_squeeze %dma_start3A_24 : memref<1x640x32xf32, #tpu.memory_space<vmem>> -> memref<640x32xf32, #tpu.memory_space<vmem>>
        %dma_start3A_26 = arith.constant 0 : i32
        %dma_start3A_27 = tpu.memref_slice %arg7[%scan3A_21, %dma_start3A_26] : memref<4x640xi32, #tpu.memory_space<vmem>> -> memref<1x640xi32, #tpu.memory_space<vmem>>
        %dma_start3A_28 = tpu.memref_squeeze %dma_start3A_27 : memref<1x640xi32, #tpu.memory_space<vmem>> -> memref<640xi32, #tpu.memory_space<vmem>>
        %dma_start3A_29 = arith.constant 0 : i32
        %dma_start3A_30 = arith.constant 0 : i32
        %dma_start3A_31 = tpu.memref_slice %arg2[%dma_start3A_29, %dma_start3A_30] : memref<102400x32xf32, #tpu.memory_space<hbm>> -> memref<102400x32xf32, #tpu.memory_space<hbm>>
        tpu.enqueue_indirect_dma source(%dma_start3A_31 : memref<102400x32xf32, #tpu.memory_space<hbm>>) target(%dma_start3A_25 : memref<640x32xf32, #tpu.memory_space<vmem>>) offsets(%dma_start3A_28 : memref<640xi32, #tpu.memory_space<vmem>>) semaphore(%arg11 : memref<!tpu.dma_semaphore, #tpu.memory_space<semaphore_mem>>)
        %dma_wait3A = arith.constant 0 : i32
        %dma_wait3A_32 = arith.constant 0 : i32
        %dma_wait3A_33 = arith.constant 0 : i32
        %dma_wait3A_34 = tpu.memref_slice %arg9[%dma_wait3A, %dma_wait3A_32, %dma_wait3A_33] : memref<1x640x32xf32, #tpu.memory_space<vmem>> -> memref<1x640x32xf32, #tpu.memory_space<vmem>>
        %dma_wait3A_35 = tpu.memref_squeeze %dma_wait3A_34 : memref<1x640x32xf32, #tpu.memory_space<vmem>> -> memref<640x32xf32, #tpu.memory_space<vmem>>
        %dma_wait3A_36 = arith.constant 0 : i32
        %dma_wait3A_37 = tpu.memref_slice %arg7[%scan3A_21, %dma_wait3A_36] : memref<4x640xi32, #tpu.memory_space<vmem>> -> memref<1x640xi32, #tpu.memory_space<vmem>>
        %dma_wait3A_38 = tpu.memref_squeeze %dma_wait3A_37 : memref<1x640xi32, #tpu.memory_space<vmem>> -> memref<640xi32, #tpu.memory_space<vmem>>
        %dma_wait3A_39 = arith.constant 0 : i32
        %dma_wait3A_40 = arith.constant 0 : i32
        %dma_wait3A_41 = tpu.memref_slice %arg2[%dma_wait3A_39, %dma_wait3A_40] : memref<102400x32xf32, #tpu.memory_space<hbm>> -> memref<102400x32xf32, #tpu.memory_space<hbm>>
        tpu.wait_indirect_dma semaphore(%arg11 : memref<!tpu.dma_semaphore, #tpu.memory_space<semaphore_mem>>) src(%dma_wait3A_41 : memref<102400x32xf32, #tpu.memory_space<hbm>>) dst(%dma_wait3A_35 : memref<640x32xf32, #tpu.memory_space<vmem>>)
        %run_scoped3A = arith.constant 0 : i32
        "tpu.region"() ({
          %run_scoped3A_42 = tpu.sem_alloc : memref<!tpu.dma_semaphore, #tpu.memory_space<semaphore_mem>>
          %dma_start3A_43 = arith.constant 0 : i32
          %dma_start3A_44 = arith.constant 0 : i32
          %dma_start3A_45 = tpu.memref_slice %arg9[%run_scoped3A, %dma_start3A_43, %dma_start3A_44] : memref<1x640x32xf32, #tpu.memory_space<vmem>> -> memref<1x640x32xf32, #tpu.memory_space<vmem>>
          %dma_start3A_46 = tpu.memref_squeeze %dma_start3A_45 : memref<1x640x32xf32, #tpu.memory_space<vmem>> -> memref<640x32xf32, #tpu.memory_space<vmem>>
          %dma_start3A_47 = arith.constant 0 : i32
          %dma_start3A_48 = tpu.memref_slice %arg8[%scan3A_21, %dma_start3A_47] : memref<4x640xi32, #tpu.memory_space<vmem>> -> memref<1x640xi32, #tpu.memory_space<vmem>>
          %dma_start3A_49 = tpu.memref_squeeze %dma_start3A_48 : memref<1x640xi32, #tpu.memory_space<vmem>> -> memref<640xi32, #tpu.memory_space<vmem>>
          %dma_start3A_50 = arith.constant 0 : i32
          %dma_start3A_51 = arith.constant 0 : i32
          %dma_start3A_52 = tpu.memref_slice %arg10[%dma_start3A_50, %dma_start3A_51] : memref<51200x32xf32, #tpu.memory_space<vmem_shared>> -> memref<51200x32xf32, #tpu.memory_space<vmem_shared>>
          tpu.enqueue_indirect_dma source(%dma_start3A_46 : memref<640x32xf32, #tpu.memory_space<vmem>>) target(%dma_start3A_52 : memref<51200x32xf32, #tpu.memory_space<vmem_shared>>) offsets(%dma_start3A_49 : memref<640xi32, #tpu.memory_space<vmem>>) semaphore(%run_scoped3A_42 : memref<!tpu.dma_semaphore, #tpu.memory_space<semaphore_mem>>) {add = true}
          %dma_wait3A_53 = arith.constant 0 : i32
          %dma_wait3A_54 = arith.constant 0 : i32
          %dma_wait3A_55 = tpu.memref_slice %arg9[%run_scoped3A, %dma_wait3A_53, %dma_wait3A_54] : memref<1x640x32xf32, #tpu.memory_space<vmem>> -> memref<1x640x32xf32, #tpu.memory_space<vmem>>
          %dma_wait3A_56 = tpu.memref_squeeze %dma_wait3A_55 : memref<1x640x32xf32, #tpu.memory_space<vmem>> -> memref<640x32xf32, #tpu.memory_space<vmem>>
          %dma_wait3A_57 = arith.constant 0 : i32
          %dma_wait3A_58 = tpu.memref_slice %arg8[%scan3A_21, %dma_wait3A_57] : memref<4x640xi32, #tpu.memory_space<vmem>> -> memref<1x640xi32, #tpu.memory_space<vmem>>
          %dma_wait3A_59 = tpu.memref_squeeze %dma_wait3A_58 : memref<1x640xi32, #tpu.memory_space<vmem>> -> memref<640xi32, #tpu.memory_space<vmem>>
          %dma_wait3A_60 = arith.constant 0 : i32
          %dma_wait3A_61 = arith.constant 0 : i32
          %dma_wait3A_62 = tpu.memref_slice %arg10[%dma_wait3A_60, %dma_wait3A_61] : memref<51200x32xf32, #tpu.memory_space<vmem_shared>> -> memref<51200x32xf32, #tpu.memory_space<vmem_shared>>
          tpu.wait_indirect_dma semaphore(%run_scoped3A_42 : memref<!tpu.dma_semaphore, #tpu.memory_space<semaphore_mem>>) src(%dma_wait3A_56 : memref<640x32xf32, #tpu.memory_space<vmem>>) dst(%dma_wait3A_62 : memref<51200x32xf32, #tpu.memory_space<vmem_shared>>)
          tpu.yield
        }) : () -> ()
      }
      %scan3A_20 = arith.constant 4 : i32
    }
    %scan3A_7 = arith.constant 20 : i32
    %barrier3A_8 = arith.constant 0 : index
    tpu.barrier barrier_id(%barrier3A_8)
    %mul3A_9 = arith.constant 3200 : i32
    %mul3A_10 = arith.muli %arg1, %mul3A_9 : i32
    %mul3A_11 = arith.constant 3200 : i32
    %mul3A_12 = arith.muli %arg1, %mul3A_11 : i32
    "tpu.region"() ({
      %run_scoped3A = tpu.sem_alloc : memref<!tpu.dma_semaphore, #tpu.memory_space<semaphore_mem>>
      %dma_start3A = arith.constant 0 : i32
      %dma_start3A_13 = tpu.memref_slice %arg6[%arg0, %mul3A_12, %dma_start3A] : memref<2x51200x32xf32, #tpu.memory_space<hbm>> -> memref<1x3200x32xf32, #tpu.memory_space<hbm>>
      %dma_start3A_14 = tpu.memref_squeeze %dma_start3A_13 : memref<1x3200x32xf32, #tpu.memory_space<hbm>> -> memref<3200x32xf32, #tpu.memory_space<hbm>>
      %dma_start3A_15 = arith.constant 0 : i32
      %dma_start3A_16 = tpu.memref_slice %arg10[%mul3A_10, %dma_start3A_15] : memref<51200x32xf32, #tpu.memory_space<vmem_shared>> -> memref<3200x32xf32, #tpu.memory_space<vmem_shared>>
      tpu.enqueue_dma source(%dma_start3A_16 : memref<3200x32xf32, #tpu.memory_space<vmem_shared>>) target(%dma_start3A_14 : memref<3200x32xf32, #tpu.memory_space<hbm>>) target_semaphore(%run_scoped3A : memref<!tpu.dma_semaphore, #tpu.memory_space<semaphore_mem>>)
      %dma_wait3A = arith.constant 0 : i32
      %dma_wait3A_17 = tpu.memref_slice %arg6[%arg0, %mul3A_12, %dma_wait3A] : memref<2x51200x32xf32, #tpu.memory_space<hbm>> -> memref<1x3200x32xf32, #tpu.memory_space<hbm>>
      %dma_wait3A_18 = tpu.memref_squeeze %dma_wait3A_17 : memref<1x3200x32xf32, #tpu.memory_space<hbm>> -> memref<3200x32xf32, #tpu.memory_space<hbm>>
      %dma_wait3A_19 = arith.constant 0 : i32
      %dma_wait3A_20 = tpu.memref_slice %arg10[%mul3A_10, %dma_wait3A_19] : memref<51200x32xf32, #tpu.memory_space<vmem_shared>> -> memref<3200x32xf32, #tpu.memory_space<vmem_shared>>
      tpu.wait_dma2 semaphore(%run_scoped3A : memref<!tpu.dma_semaphore, #tpu.memory_space<semaphore_mem>>) src(%dma_wait3A_20 : memref<3200x32xf32, #tpu.memory_space<vmem_shared>>) dst(%dma_wait3A_18 : memref<3200x32xf32, #tpu.memory_space<hbm>>)
      tpu.yield
    }) : () -> ()
    return
  }
}

#map = affine_map<(d0, d1) -> (0, 0, 0)>
#map1 = affine_map<(d0, d1) -> (0, 0)>
module attributes {stable_mosaic.version = 14 : i64} {
  func.func @_sc_count_body(%arg0: i32, %arg1: i32, %arg2: memref<16x80x640xi32, #tpu.memory_space<hbm>>, %arg3: memref<51200x8xf32, #tpu.memory_space<hbm>>, %arg4: memref<640x8xf32, #tpu.memory_space<hbm>>, %arg5: memref<2x51200x8xf32, #tpu.memory_space<hbm>>, %arg6: memref<4x640xi32, #tpu.memory_space<vmem>>, %arg7: memref<640x8xf32, #tpu.memory_space<vmem>>, %arg8: memref<51200x8xf32, #tpu.memory_space<vmem_shared>>) attributes {dimension_semantics = [#tpu.dimension_semantics<core_parallel>, #tpu.dimension_semantics<subcore_parallel>], iteration_bounds = array<i64: 2, 16>, scalar_prefetch = 0 : i64, scratch_operands = 3 : i64, tpu.core_type = #tpu.core_type<sc_vector_subcore>, window_params = [{transform_indices = #map}, {transform_indices = #map1}, {transform_indices = #map1}, {transform_indices = #map}]} {
    %mul3A = arith.constant 3200 : i32
    %mul3A_0 = arith.muli %arg1, %mul3A : i32
    %mul3A_1 = arith.constant 3200 : i32
    %mul3A_2 = arith.muli %arg1, %mul3A_1 : i32
    "tpu.region"() ({
      %run_scoped3A = tpu.sem_alloc : memref<!tpu.dma_semaphore, #tpu.memory_space<semaphore_mem>>
      %dma_start3A = arith.constant 0 : i32
      %dma_start3A_13 = tpu.memref_slice %arg8[%mul3A_2, %dma_start3A] : memref<51200x8xf32, #tpu.memory_space<vmem_shared>> -> memref<3200x8xf32, #tpu.memory_space<vmem_shared>>
      %dma_start3A_14 = arith.constant 0 : i32
      %dma_start3A_15 = tpu.memref_slice %arg3[%mul3A_0, %dma_start3A_14] : memref<51200x8xf32, #tpu.memory_space<hbm>> -> memref<3200x8xf32, #tpu.memory_space<hbm>>
      tpu.enqueue_dma source(%dma_start3A_15 : memref<3200x8xf32, #tpu.memory_space<hbm>>) target(%dma_start3A_13 : memref<3200x8xf32, #tpu.memory_space<vmem_shared>>) target_semaphore(%run_scoped3A : memref<!tpu.dma_semaphore, #tpu.memory_space<semaphore_mem>>)
      %dma_wait3A = arith.constant 0 : i32
      %dma_wait3A_16 = tpu.memref_slice %arg8[%mul3A_2, %dma_wait3A] : memref<51200x8xf32, #tpu.memory_space<vmem_shared>> -> memref<3200x8xf32, #tpu.memory_space<vmem_shared>>
      %dma_wait3A_17 = arith.constant 0 : i32
      %dma_wait3A_18 = tpu.memref_slice %arg3[%mul3A_0, %dma_wait3A_17] : memref<51200x8xf32, #tpu.memory_space<hbm>> -> memref<3200x8xf32, #tpu.memory_space<hbm>>
      tpu.wait_dma2 semaphore(%run_scoped3A : memref<!tpu.dma_semaphore, #tpu.memory_space<semaphore_mem>>) src(%dma_wait3A_18 : memref<3200x8xf32, #tpu.memory_space<hbm>>) dst(%dma_wait3A_16 : memref<3200x8xf32, #tpu.memory_space<vmem_shared>>)
      tpu.yield
    }) : () -> ()
    "tpu.region"() ({
      %run_scoped3A = tpu.sem_alloc : memref<!tpu.dma_semaphore, #tpu.memory_space<semaphore_mem>>
      tpu.enqueue_dma source(%arg4 : memref<640x8xf32, #tpu.memory_space<hbm>>) target(%arg7 : memref<640x8xf32, #tpu.memory_space<vmem>>) target_semaphore(%run_scoped3A : memref<!tpu.dma_semaphore, #tpu.memory_space<semaphore_mem>>)
      tpu.wait_dma2 semaphore(%run_scoped3A : memref<!tpu.dma_semaphore, #tpu.memory_space<semaphore_mem>>) src(%arg4 : memref<640x8xf32, #tpu.memory_space<hbm>>) dst(%arg7 : memref<640x8xf32, #tpu.memory_space<vmem>>)
      tpu.yield
    }) : () -> ()
    %barrier3A = arith.constant 0 : index
    tpu.barrier barrier_id(%barrier3A)
    %scan3A = arith.constant 0 : i32
    %scan3A_3 = arith.constant 0 : i32
    %scan3A_4 = arith.constant 20 : i32
    %scan3A_5 = arith.addi %scan3A_3, %scan3A_4 : i32
    %scan3A_6 = arith.constant 1 : i32
    scf.for %scan3A_13 = %scan3A_3 to %scan3A_5 step %scan3A_6  : i32 {
      %mul3A_14 = arith.constant 4 : i32
      %mul3A_15 = arith.muli %scan3A_13, %mul3A_14 : i32
      "tpu.region"() ({
        %run_scoped3A = tpu.sem_alloc : memref<!tpu.dma_semaphore, #tpu.memory_space<semaphore_mem>>
        %dma_start3A = arith.constant 0 : i32
        %dma_start3A_21 = tpu.memref_slice %arg2[%arg1, %mul3A_15, %dma_start3A] : memref<16x80x640xi32, #tpu.memory_space<hbm>> -> memref<1x4x640xi32, #tpu.memory_space<hbm>>
        %dma_start3A_22 = tpu.memref_squeeze %dma_start3A_21 : memref<1x4x640xi32, #tpu.memory_space<hbm>> -> memref<4x640xi32, #tpu.memory_space<hbm>>
        %dma_start3A_23 = arith.constant 0 : i32
        %dma_start3A_24 = tpu.memref_slice %arg2[%arg1, %mul3A_15, %dma_start3A_23] : memref<16x80x640xi32, #tpu.memory_space<hbm>> -> memref<1x4x640xi32, #tpu.memory_space<hbm>>
        %dma_start3A_25 = tpu.memref_squeeze %dma_start3A_24 : memref<1x4x640xi32, #tpu.memory_space<hbm>> -> memref<4x640xi32, #tpu.memory_space<hbm>>
        tpu.enqueue_dma source(%dma_start3A_25 : memref<4x640xi32, #tpu.memory_space<hbm>>) target(%arg6 : memref<4x640xi32, #tpu.memory_space<vmem>>) target_semaphore(%run_scoped3A : memref<!tpu.dma_semaphore, #tpu.memory_space<semaphore_mem>>)
        %dma_wait3A = arith.constant 0 : i32
        %dma_wait3A_26 = tpu.memref_slice %arg2[%arg1, %mul3A_15, %dma_wait3A] : memref<16x80x640xi32, #tpu.memory_space<hbm>> -> memref<1x4x640xi32, #tpu.memory_space<hbm>>
        %dma_wait3A_27 = tpu.memref_squeeze %dma_wait3A_26 : memref<1x4x640xi32, #tpu.memory_space<hbm>> -> memref<4x640xi32, #tpu.memory_space<hbm>>
        %dma_wait3A_28 = arith.constant 0 : i32
        %dma_wait3A_29 = tpu.memref_slice %arg2[%arg1, %mul3A_15, %dma_wait3A_28] : memref<16x80x640xi32, #tpu.memory_space<hbm>> -> memref<1x4x640xi32, #tpu.memory_space<hbm>>
        %dma_wait3A_30 = tpu.memref_squeeze %dma_wait3A_29 : memref<1x4x640xi32, #tpu.memory_space<hbm>> -> memref<4x640xi32, #tpu.memory_space<hbm>>
        tpu.wait_dma2 semaphore(%run_scoped3A : memref<!tpu.dma_semaphore, #tpu.memory_space<semaphore_mem>>) src(%dma_wait3A_30 : memref<4x640xi32, #tpu.memory_space<hbm>>) dst(%arg6 : memref<4x640xi32, #tpu.memory_space<vmem>>)
        tpu.yield
      }) : () -> ()
      %scan3A_16 = arith.constant 0 : i32
      %scan3A_17 = arith.constant 4 : i32
      %scan3A_18 = arith.addi %scan3A_16, %scan3A_17 : i32
      %scan3A_19 = arith.constant 1 : i32
      scf.for %scan3A_21 = %scan3A_16 to %scan3A_18 step %scan3A_19  : i32 {
        %jit3A = arith.constant 2 : i32
        %eq3A = arith.constant 0 : i32
        %eq3A_22 = arith.cmpi eq, %jit3A, %eq3A : i32
        %jit3A_23 = arith.constant 1 : i32
        %select_n3A = arith.select %eq3A_22, %jit3A_23, %jit3A : i32
        %rem3A = arith.remsi %scan3A_21, %select_n3A : i32
        %ne3A = arith.constant 0 : i32
        %ne3A_24 = arith.cmpi ne, %rem3A, %ne3A : i32
        %lt3A = arith.constant 0 : i32
        %lt3A_25 = arith.cmpi slt, %rem3A, %lt3A : i32
        %lt3A_26 = arith.constant 0 : i32
        %lt3A_27 = arith.cmpi slt, %select_n3A, %lt3A_26 : i32
        %ne3A_28 = arith.xori %lt3A_25, %lt3A_27 : i1
        %and3A = arith.andi %ne3A_28, %ne3A_24 : i1
        %add3A = arith.addi %rem3A, %select_n3A : i32
        %select_n3A_29 = arith.select %and3A, %add3A, %rem3A : i32
        %eq3A_30 = arith.cmpi eq, %select_n3A_29, %arg0 : i32
        %convert_element_type3A = arith.extui %eq3A_30 : i1 to i32
        %cond3A = arith.constant 0 : i32
        %cond3A_31 = arith.cmpi ne, %convert_element_type3A, %cond3A : i32
        scf.if %cond3A_31 {
          "tpu.region"() ({
            %run_scoped3A = tpu.sem_alloc : memref<!tpu.dma_semaphore, #tpu.memory_space<semaphore_mem>>
            %dma_start3A = arith.constant 0 : i32
            %dma_start3A_32 = tpu.memref_slice %arg6[%scan3A_21, %dma_start3A] : memref<4x640xi32, #tpu.memory_space<vmem>> -> memref<1x640xi32, #tpu.memory_space<vmem>>
            %dma_start3A_33 = tpu.memref_squeeze %dma_start3A_32 : memref<1x640xi32, #tpu.memory_space<vmem>> -> memref<640xi32, #tpu.memory_space<vmem>>
            %dma_start3A_34 = arith.constant 0 : i32
            %dma_start3A_35 = arith.constant 0 : i32
            %dma_start3A_36 = tpu.memref_slice %arg8[%dma_start3A_34, %dma_start3A_35] : memref<51200x8xf32, #tpu.memory_space<vmem_shared>> -> memref<51200x8xf32, #tpu.memory_space<vmem_shared>>
            tpu.enqueue_indirect_dma source(%arg7 : memref<640x8xf32, #tpu.memory_space<vmem>>) target(%dma_start3A_36 : memref<51200x8xf32, #tpu.memory_space<vmem_shared>>) offsets(%dma_start3A_33 : memref<640xi32, #tpu.memory_space<vmem>>) semaphore(%run_scoped3A : memref<!tpu.dma_semaphore, #tpu.memory_space<semaphore_mem>>) {add = true}
            %dma_wait3A = arith.constant 0 : i32
            %dma_wait3A_37 = tpu.memref_slice %arg6[%scan3A_21, %dma_wait3A] : memref<4x640xi32, #tpu.memory_space<vmem>> -> memref<1x640xi32, #tpu.memory_space<vmem>>
            %dma_wait3A_38 = tpu.memref_squeeze %dma_wait3A_37 : memref<1x640xi32, #tpu.memory_space<vmem>> -> memref<640xi32, #tpu.memory_space<vmem>>
            %dma_wait3A_39 = arith.constant 0 : i32
            %dma_wait3A_40 = arith.constant 0 : i32
            %dma_wait3A_41 = tpu.memref_slice %arg8[%dma_wait3A_39, %dma_wait3A_40] : memref<51200x8xf32, #tpu.memory_space<vmem_shared>> -> memref<51200x8xf32, #tpu.memory_space<vmem_shared>>
            tpu.wait_indirect_dma semaphore(%run_scoped3A : memref<!tpu.dma_semaphore, #tpu.memory_space<semaphore_mem>>) src(%arg7 : memref<640x8xf32, #tpu.memory_space<vmem>>) dst(%dma_wait3A_41 : memref<51200x8xf32, #tpu.memory_space<vmem_shared>>)
            tpu.yield
          }) : () -> ()
        } else {
        }
      }
      %scan3A_20 = arith.constant 4 : i32
    }
    %scan3A_7 = arith.constant 20 : i32
    %barrier3A_8 = arith.constant 0 : index
    tpu.barrier barrier_id(%barrier3A_8)
    %mul3A_9 = arith.constant 3200 : i32
    %mul3A_10 = arith.muli %arg1, %mul3A_9 : i32
    %mul3A_11 = arith.constant 3200 : i32
    %mul3A_12 = arith.muli %arg1, %mul3A_11 : i32
    "tpu.region"() ({
      %run_scoped3A = tpu.sem_alloc : memref<!tpu.dma_semaphore, #tpu.memory_space<semaphore_mem>>
      %dma_start3A = arith.constant 0 : i32
      %dma_start3A_13 = tpu.memref_slice %arg5[%arg0, %mul3A_12, %dma_start3A] : memref<2x51200x8xf32, #tpu.memory_space<hbm>> -> memref<1x3200x8xf32, #tpu.memory_space<hbm>>
      %dma_start3A_14 = tpu.memref_squeeze %dma_start3A_13 : memref<1x3200x8xf32, #tpu.memory_space<hbm>> -> memref<3200x8xf32, #tpu.memory_space<hbm>>
      %dma_start3A_15 = arith.constant 0 : i32
      %dma_start3A_16 = tpu.memref_slice %arg8[%mul3A_10, %dma_start3A_15] : memref<51200x8xf32, #tpu.memory_space<vmem_shared>> -> memref<3200x8xf32, #tpu.memory_space<vmem_shared>>
      tpu.enqueue_dma source(%dma_start3A_16 : memref<3200x8xf32, #tpu.memory_space<vmem_shared>>) target(%dma_start3A_14 : memref<3200x8xf32, #tpu.memory_space<hbm>>) target_semaphore(%run_scoped3A : memref<!tpu.dma_semaphore, #tpu.memory_space<semaphore_mem>>)
      %dma_wait3A = arith.constant 0 : i32
      %dma_wait3A_17 = tpu.memref_slice %arg5[%arg0, %mul3A_12, %dma_wait3A] : memref<2x51200x8xf32, #tpu.memory_space<hbm>> -> memref<1x3200x8xf32, #tpu.memory_space<hbm>>
      %dma_wait3A_18 = tpu.memref_squeeze %dma_wait3A_17 : memref<1x3200x8xf32, #tpu.memory_space<hbm>> -> memref<3200x8xf32, #tpu.memory_space<hbm>>
      %dma_wait3A_19 = arith.constant 0 : i32
      %dma_wait3A_20 = tpu.memref_slice %arg8[%mul3A_10, %dma_wait3A_19] : memref<51200x8xf32, #tpu.memory_space<vmem_shared>> -> memref<3200x8xf32, #tpu.memory_space<vmem_shared>>
      tpu.wait_dma2 semaphore(%run_scoped3A : memref<!tpu.dma_semaphore, #tpu.memory_space<semaphore_mem>>) src(%dma_wait3A_20 : memref<3200x8xf32, #tpu.memory_space<vmem_shared>>) dst(%dma_wait3A_18 : memref<3200x8xf32, #tpu.memory_space<hbm>>)
      tpu.yield
    }) : () -> ()
    return
  }
}

module attributes {stable_mosaic.version = 14 : i64} {
  func.func @_mlp_in_body(%arg0: i32, %arg1: memref<2048x128xf32, #tpu.memory_space<vmem>>, %arg2: memref<64x128xf32, #tpu.memory_space<vmem>>, %arg3: memref<1x64xf32, #tpu.memory_space<vmem>>, %arg4: memref<2x512x128xf32, #tpu.memory_space<vmem>>) attributes {dimension_semantics = [#tpu.dimension_semantics<arbitrary>], iteration_bounds = array<i64: 25>, scalar_prefetch = 0 : i64, scratch_operands = 0 : i64, tpu.core_type = #tpu.core_type<tc>, window_params = [{transform_indices = @transform_0, window_bounds = array<i64: 2048, 128>}, {pipeline_mode = #tpu.pipeline_mode<synchronous>, transform_indices = @transform_1, window_bounds = array<i64: 64, 128>}, {pipeline_mode = #tpu.pipeline_mode<synchronous>, transform_indices = @transform_2, window_bounds = array<i64: 1, 64>}, {transform_indices = @transform_3, window_bounds = array<i64: 2, 512, 128>}]} {
    %get3A = arith.constant 0 : index
    %get3A_0 = arith.constant 0 : index
    %get3A_1 = vector.load %arg1[%get3A, %get3A_0] : memref<2048x128xf32, #tpu.memory_space<vmem>>, vector<2048x128xf32>
    %get3A_2 = arith.constant 0 : index
    %get3A_3 = arith.constant 0 : index
    %get3A_4 = vector.load %arg2[%get3A_2, %get3A_3] : memref<64x128xf32, #tpu.memory_space<vmem>>, vector<64x128xf32>
    %dot_general3A = arith.constant dense<0.000000e+00> : vector<2048x64xf32>
    %dot_general3A_5 = tpu.matmul %get3A_1, %get3A_4, %dot_general3A {dimension_numbers = #tpu.dot_dimension_numbers<[1], [1], [0], [0], [0, 0, 1, 0], [], []>, transpose_lhs_hint = false} : vector<2048x128xf32>, vector<64x128xf32>, vector<2048x64xf32> -> vector<2048x64xf32>
    %get3A_6 = arith.constant 0 : index
    %get3A_7 = arith.constant 0 : index
    %get3A_8 = vector.load %arg3[%get3A_6, %get3A_7] : memref<1x64xf32, #tpu.memory_space<vmem>>, vector<1x64xf32>
    %add3A = vector.broadcast %get3A_8 : vector<1x64xf32> to vector<2048x64xf32>
    %add3A_9 = arith.addf %dot_general3A_5, %add3A : vector<2048x64xf32>
    %max3A = arith.constant 0.000000e+00 : f32
    %max3A_10 = vector.broadcast %max3A : f32 to vector<2048x64xf32>
    %max3A_11 = arith.maximumf %add3A_9, %max3A_10 : vector<2048x64xf32>
    %slice3A = vector.extract_strided_slice %max3A_11 {offsets = [0, 0], sizes = [2048, 32], strides = [1, 1]} : vector<2048x64xf32> to vector<2048x32xf32>
    %slice3A_12 = vector.extract_strided_slice %slice3A {offsets = [0, 0], sizes = [512, 32], strides = [1, 1]} : vector<2048x32xf32> to vector<512x32xf32>
    %slice3A_13 = vector.extract_strided_slice %slice3A {offsets = [512, 0], sizes = [512, 32], strides = [1, 1]} : vector<2048x32xf32> to vector<512x32xf32>
    %slice3A_14 = vector.extract_strided_slice %slice3A {offsets = [1024, 0], sizes = [512, 32], strides = [1, 1]} : vector<2048x32xf32> to vector<512x32xf32>
    %slice3A_15 = vector.extract_strided_slice %slice3A {offsets = [1536, 0], sizes = [512, 32], strides = [1, 1]} : vector<2048x32xf32> to vector<512x32xf32>
    %concatenate3A = tpu.concatenate %slice3A_12, %slice3A_13, %slice3A_14, %slice3A_15 in 1 : vector<512x32xf32>, vector<512x32xf32>, vector<512x32xf32>, vector<512x32xf32> -> vector<512x128xf32>
    %swap3A = arith.constant 0 : index
    %swap3A_16 = arith.constant 0 : index
    %swap3A_17 = arith.constant 0 : index
    %swap3A_18 = vector.load %arg4[%swap3A, %swap3A_16, %swap3A_17] : memref<2x512x128xf32, #tpu.memory_space<vmem>>, vector<1x512x128xf32>
    %swap3A_19 = vector.shape_cast %swap3A_18 : vector<1x512x128xf32> to vector<512x128xf32>
    %swap3A_20 = vector.shape_cast %concatenate3A : vector<512x128xf32> to vector<1x512x128xf32>
    tpu.vector_store %arg4[%swap3A, %swap3A_16, %swap3A_17], %swap3A_20 {strides = array<i32>} : memref<2x512x128xf32, #tpu.memory_space<vmem>>, vector<1x512x128xf32>,
    %slice3A_21 = vector.extract_strided_slice %max3A_11 {offsets = [0, 32], sizes = [2048, 32], strides = [1, 1]} : vector<2048x64xf32> to vector<2048x32xf32>
    %slice3A_22 = vector.extract_strided_slice %slice3A_21 {offsets = [0, 0], sizes = [512, 32], strides = [1, 1]} : vector<2048x32xf32> to vector<512x32xf32>
    %slice3A_23 = vector.extract_strided_slice %slice3A_21 {offsets = [512, 0], sizes = [512, 32], strides = [1, 1]} : vector<2048x32xf32> to vector<512x32xf32>
    %slice3A_24 = vector.extract_strided_slice %slice3A_21 {offsets = [1024, 0], sizes = [512, 32], strides = [1, 1]} : vector<2048x32xf32> to vector<512x32xf32>
    %slice3A_25 = vector.extract_strided_slice %slice3A_21 {offsets = [1536, 0], sizes = [512, 32], strides = [1, 1]} : vector<2048x32xf32> to vector<512x32xf32>
    %concatenate3A_26 = tpu.concatenate %slice3A_22, %slice3A_23, %slice3A_24, %slice3A_25 in 1 : vector<512x32xf32>, vector<512x32xf32>, vector<512x32xf32>, vector<512x32xf32> -> vector<512x128xf32>
    %swap3A_27 = arith.constant 1 : index
    %swap3A_28 = arith.constant 0 : index
    %swap3A_29 = arith.constant 0 : index
    %swap3A_30 = vector.load %arg4[%swap3A_27, %swap3A_28, %swap3A_29] : memref<2x512x128xf32, #tpu.memory_space<vmem>>, vector<1x512x128xf32>
    %swap3A_31 = vector.shape_cast %swap3A_30 : vector<1x512x128xf32> to vector<512x128xf32>
    %swap3A_32 = vector.shape_cast %concatenate3A_26 : vector<512x128xf32> to vector<1x512x128xf32>
    tpu.vector_store %arg4[%swap3A_27, %swap3A_28, %swap3A_29], %swap3A_32 {strides = array<i32>} : memref<2x512x128xf32, #tpu.memory_space<vmem>>, vector<1x512x128xf32>,
    return
  }
  func.func @transform_0(%arg0: i32) -> (i32, i32) {
    %c0_i32 = arith.constant 0 : i32
    %c0_i32_0 = arith.constant 0 : i32
    return %arg0, %c0_i32 : i32, i32
  }
  func.func @transform_1(%arg0: i32) -> (i32, i32) {
    %c0_i32 = arith.constant 0 : i32
    %c0_i32_0 = arith.constant 0 : i32
    %c0_i32_1 = arith.constant 0 : i32
    return %c0_i32, %c0_i32_0 : i32, i32
  }
  func.func @transform_2(%arg0: i32) -> (i32, i32) {
    %c0_i32 = arith.constant 0 : i32
    %c0_i32_0 = arith.constant 0 : i32
    %c0_i32_1 = arith.constant 0 : i32
    return %c0_i32, %c0_i32_0 : i32, i32
  }
  func.func @transform_3(%arg0: i32) -> (i32, i32, i32) {
    %c0_i32 = arith.constant 0 : i32
    %c0_i32_0 = arith.constant 0 : i32
    %c0_i32_1 = arith.constant 0 : i32
    return %c0_i32, %arg0, %c0_i32_0 : i32, i32, i32
  }
}

module attributes {stable_mosaic.version = 14 : i64} {
  func.func @_dense_layer_body(%arg0: i32, %arg1: memref<2x512x128xf32, #tpu.memory_space<vmem>>, %arg2: memref<2x128x128xf32, #tpu.memory_space<vmem>>, %arg3: memref<2x512x128xf32, #tpu.memory_space<vmem>>, %arg4: memref<64x64xf32, #tpu.memory_space<vmem>>, %arg5: memref<1x64xf32, #tpu.memory_space<vmem>>, %arg6: memref<64x64xf32, #tpu.memory_space<vmem>>, %arg7: memref<1x64xf32, #tpu.memory_space<vmem>>, %arg8: memref<1x64xf32, #tpu.memory_space<vmem>>, %arg9: memref<2x512x128xf32, #tpu.memory_space<vmem>>) attributes {dimension_semantics = [#tpu.dimension_semantics<arbitrary>], iteration_bounds = array<i64: 25>, scalar_prefetch = 0 : i64, scratch_operands = 0 : i64, tpu.core_type = #tpu.core_type<tc>, window_params = [{transform_indices = @transform_0, window_bounds = array<i64: 2, 512, 128>}, {transform_indices = @transform_1, window_bounds = array<i64: 2, 128, 128>}, {transform_indices = @transform_2, window_bounds = array<i64: 2, 512, 128>}, {pipeline_mode = #tpu.pipeline_mode<synchronous>, transform_indices = @transform_3, window_bounds = array<i64: 64, 64>}, {pipeline_mode = #tpu.pipeline_mode<synchronous>, transform_indices = @transform_4, window_bounds = array<i64: 1, 64>}, {pipeline_mode = #tpu.pipeline_mode<synchronous>, transform_indices = @transform_5, window_bounds = array<i64: 64, 64>}, {pipeline_mode = #tpu.pipeline_mode<synchronous>, transform_indices = @transform_6, window_bounds = array<i64: 1, 64>}, {pipeline_mode = #tpu.pipeline_mode<synchronous>, transform_indices = @transform_7, window_bounds = array<i64: 1, 64>}, {transform_indices = @transform_8, window_bounds = array<i64: 2, 512, 128>}]} {
    %get3A = arith.constant 0 : index
    %get3A_0 = arith.constant 0 : index
    %get3A_1 = arith.constant 0 : index
    %get3A_2 = vector.load %arg1[%get3A, %get3A_0, %get3A_1] : memref<2x512x128xf32, #tpu.memory_space<vmem>>, vector<1x512x128xf32>
    %get3A_3 = vector.shape_cast %get3A_2 : vector<1x512x128xf32> to vector<512x128xf32>
    %slice3A = vector.extract_strided_slice %get3A_3 {offsets = [0, 0], sizes = [512, 32], strides = [1, 1]} : vector<512x128xf32> to vector<512x32xf32>
    %slice3A_4 = vector.extract_strided_slice %get3A_3 {offsets = [0, 32], sizes = [512, 32], strides = [1, 1]} : vector<512x128xf32> to vector<512x32xf32>
    %slice3A_5 = vector.extract_strided_slice %get3A_3 {offsets = [0, 64], sizes = [512, 32], strides = [1, 1]} : vector<512x128xf32> to vector<512x32xf32>
    %slice3A_6 = vector.extract_strided_slice %get3A_3 {offsets = [0, 96], sizes = [512, 32], strides = [1, 1]} : vector<512x128xf32> to vector<512x32xf32>
    %concatenate3A = tpu.concatenate %slice3A, %slice3A_4, %slice3A_5, %slice3A_6 in 0 : vector<512x32xf32>, vector<512x32xf32>, vector<512x32xf32>, vector<512x32xf32> -> vector<2048x32xf32>
    %get3A_7 = arith.constant 1 : index
    %get3A_8 = arith.constant 0 : index
    %get3A_9 = arith.constant 0 : index
    %get3A_10 = vector.load %arg1[%get3A_7, %get3A_8, %get3A_9] : memref<2x512x128xf32, #tpu.memory_space<vmem>>, vector<1x512x128xf32>
    %get3A_11 = vector.shape_cast %get3A_10 : vector<1x512x128xf32> to vector<512x128xf32>
    %slice3A_12 = vector.extract_strided_slice %get3A_11 {offsets = [0, 0], sizes = [512, 32], strides = [1, 1]} : vector<512x128xf32> to vector<512x32xf32>
    %slice3A_13 = vector.extract_strided_slice %get3A_11 {offsets = [0, 32], sizes = [512, 32], strides = [1, 1]} : vector<512x128xf32> to vector<512x32xf32>
    %slice3A_14 = vector.extract_strided_slice %get3A_11 {offsets = [0, 64], sizes = [512, 32], strides = [1, 1]} : vector<512x128xf32> to vector<512x32xf32>
    %slice3A_15 = vector.extract_strided_slice %get3A_11 {offsets = [0, 96], sizes = [512, 32], strides = [1, 1]} : vector<512x128xf32> to vector<512x32xf32>
    %concatenate3A_16 = tpu.concatenate %slice3A_12, %slice3A_13, %slice3A_14, %slice3A_15 in 0 : vector<512x32xf32>, vector<512x32xf32>, vector<512x32xf32>, vector<512x32xf32> -> vector<2048x32xf32>
    %concatenate3A_17 = tpu.concatenate %concatenate3A, %concatenate3A_16 in 1 : vector<2048x32xf32>, vector<2048x32xf32> -> vector<2048x64xf32>
    %get3A_18 = arith.constant 0 : index
    %get3A_19 = arith.constant 0 : index
    %get3A_20 = arith.constant 0 : index
    %get3A_21 = vector.load %arg2[%get3A_18, %get3A_19, %get3A_20] : memref<2x128x128xf32, #tpu.memory_space<vmem>>, vector<1x128x128xf32>
    %get3A_22 = vector.shape_cast %get3A_21 : vector<1x128x128xf32> to vector<128x128xf32>
    %get3A_23 = arith.constant 1 : index
    %get3A_24 = arith.constant 0 : index
    %get3A_25 = arith.constant 0 : index
    %get3A_26 = vector.load %arg2[%get3A_23, %get3A_24, %get3A_25] : memref<2x128x128xf32, #tpu.memory_space<vmem>>, vector<1x128x128xf32>
    %get3A_27 = vector.shape_cast %get3A_26 : vector<1x128x128xf32> to vector<128x128xf32>
    %add3A = arith.addf %get3A_22, %get3A_27 : vector<128x128xf32>
    %slice3A_28 = vector.extract_strided_slice %add3A {offsets = [0, 0], sizes = [128, 8], strides = [1, 1]} : vector<128x128xf32> to vector<128x8xf32>
    %slice3A_29 = vector.extract_strided_slice %add3A {offsets = [0, 8], sizes = [128, 8], strides = [1, 1]} : vector<128x128xf32> to vector<128x8xf32>
    %slice3A_30 = vector.extract_strided_slice %add3A {offsets = [0, 16], sizes = [128, 8], strides = [1, 1]} : vector<128x128xf32> to vector<128x8xf32>
    %slice3A_31 = vector.extract_strided_slice %add3A {offsets = [0, 24], sizes = [128, 8], strides = [1, 1]} : vector<128x128xf32> to vector<128x8xf32>
    %slice3A_32 = vector.extract_strided_slice %add3A {offsets = [0, 32], sizes = [128, 8], strides = [1, 1]} : vector<128x128xf32> to vector<128x8xf32>
    %slice3A_33 = vector.extract_strided_slice %add3A {offsets = [0, 40], sizes = [128, 8], strides = [1, 1]} : vector<128x128xf32> to vector<128x8xf32>
    %slice3A_34 = vector.extract_strided_slice %add3A {offsets = [0, 48], sizes = [128, 8], strides = [1, 1]} : vector<128x128xf32> to vector<128x8xf32>
    %slice3A_35 = vector.extract_strided_slice %add3A {offsets = [0, 56], sizes = [128, 8], strides = [1, 1]} : vector<128x128xf32> to vector<128x8xf32>
    %slice3A_36 = vector.extract_strided_slice %add3A {offsets = [0, 64], sizes = [128, 8], strides = [1, 1]} : vector<128x128xf32> to vector<128x8xf32>
    %slice3A_37 = vector.extract_strided_slice %add3A {offsets = [0, 72], sizes = [128, 8], strides = [1, 1]} : vector<128x128xf32> to vector<128x8xf32>
    %slice3A_38 = vector.extract_strided_slice %add3A {offsets = [0, 80], sizes = [128, 8], strides = [1, 1]} : vector<128x128xf32> to vector<128x8xf32>
    %slice3A_39 = vector.extract_strided_slice %add3A {offsets = [0, 88], sizes = [128, 8], strides = [1, 1]} : vector<128x128xf32> to vector<128x8xf32>
    %slice3A_40 = vector.extract_strided_slice %add3A {offsets = [0, 96], sizes = [128, 8], strides = [1, 1]} : vector<128x128xf32> to vector<128x8xf32>
    %slice3A_41 = vector.extract_strided_slice %add3A {offsets = [0, 104], sizes = [128, 8], strides = [1, 1]} : vector<128x128xf32> to vector<128x8xf32>
    %slice3A_42 = vector.extract_strided_slice %add3A {offsets = [0, 112], sizes = [128, 8], strides = [1, 1]} : vector<128x128xf32> to vector<128x8xf32>
    %slice3A_43 = vector.extract_strided_slice %add3A {offsets = [0, 120], sizes = [128, 8], strides = [1, 1]} : vector<128x128xf32> to vector<128x8xf32>
    %concatenate3A_44 = tpu.concatenate %slice3A_28, %slice3A_29, %slice3A_30, %slice3A_31, %slice3A_32, %slice3A_33, %slice3A_34, %slice3A_35, %slice3A_36, %slice3A_37, %slice3A_38, %slice3A_39, %slice3A_40, %slice3A_41, %slice3A_42, %slice3A_43 in 0 : vector<128x8xf32>, vector<128x8xf32>, vector<128x8xf32>, vector<128x8xf32>, vector<128x8xf32>, vector<128x8xf32>, vector<128x8xf32>, vector<128x8xf32>, vector<128x8xf32>, vector<128x8xf32>, vector<128x8xf32>, vector<128x8xf32>, vector<128x8xf32>, vector<128x8xf32>, vector<128x8xf32>, vector<128x8xf32> -> vector<2048x8xf32>
    %slice3A_45 = vector.extract_strided_slice %concatenate3A_44 {offsets = [0, 0], sizes = [2048, 1], strides = [1, 1]} : vector<2048x8xf32> to vector<2048x1xf32>
    %max3A = arith.constant 1.000000e+00 : f32
    %max3A_46 = vector.broadcast %max3A : f32 to vector<2048x1xf32>
    %max3A_47 = arith.maximumf %slice3A_45, %max3A_46 : vector<2048x1xf32>
    %div3A = vector.broadcast %max3A_47 : vector<2048x1xf32> to vector<2048x64xf32>
    %div3A_48 = arith.divf %concatenate3A_17, %div3A : vector<2048x64xf32>
    %get3A_49 = arith.constant 0 : index
    %get3A_50 = arith.constant 0 : index
    %get3A_51 = arith.constant 0 : index
    %get3A_52 = vector.load %arg3[%get3A_49, %get3A_50, %get3A_51] : memref<2x512x128xf32, #tpu.memory_space<vmem>>, vector<1x512x128xf32>
    %get3A_53 = vector.shape_cast %get3A_52 : vector<1x512x128xf32> to vector<512x128xf32>
    %slice3A_54 = vector.extract_strided_slice %get3A_53 {offsets = [0, 0], sizes = [512, 32], strides = [1, 1]} : vector<512x128xf32> to vector<512x32xf32>
    %slice3A_55 = vector.extract_strided_slice %get3A_53 {offsets = [0, 32], sizes = [512, 32], strides = [1, 1]} : vector<512x128xf32> to vector<512x32xf32>
    %slice3A_56 = vector.extract_strided_slice %get3A_53 {offsets = [0, 64], sizes = [512, 32], strides = [1, 1]} : vector<512x128xf32> to vector<512x32xf32>
    %slice3A_57 = vector.extract_strided_slice %get3A_53 {offsets = [0, 96], sizes = [512, 32], strides = [1, 1]} : vector<512x128xf32> to vector<512x32xf32>
    %concatenate3A_58 = tpu.concatenate %slice3A_54, %slice3A_55, %slice3A_56, %slice3A_57 in 0 : vector<512x32xf32>, vector<512x32xf32>, vector<512x32xf32>, vector<512x32xf32> -> vector<2048x32xf32>
    %get3A_59 = arith.constant 1 : index
    %get3A_60 = arith.constant 0 : index
    %get3A_61 = arith.constant 0 : index
    %get3A_62 = vector.load %arg3[%get3A_59, %get3A_60, %get3A_61] : memref<2x512x128xf32, #tpu.memory_space<vmem>>, vector<1x512x128xf32>
    %get3A_63 = vector.shape_cast %get3A_62 : vector<1x512x128xf32> to vector<512x128xf32>
    %slice3A_64 = vector.extract_strided_slice %get3A_63 {offsets = [0, 0], sizes = [512, 32], strides = [1, 1]} : vector<512x128xf32> to vector<512x32xf32>
    %slice3A_65 = vector.extract_strided_slice %get3A_63 {offsets = [0, 32], sizes = [512, 32], strides = [1, 1]} : vector<512x128xf32> to vector<512x32xf32>
    %slice3A_66 = vector.extract_strided_slice %get3A_63 {offsets = [0, 64], sizes = [512, 32], strides = [1, 1]} : vector<512x128xf32> to vector<512x32xf32>
    %slice3A_67 = vector.extract_strided_slice %get3A_63 {offsets = [0, 96], sizes = [512, 32], strides = [1, 1]} : vector<512x128xf32> to vector<512x32xf32>
    %concatenate3A_68 = tpu.concatenate %slice3A_64, %slice3A_65, %slice3A_66, %slice3A_67 in 0 : vector<512x32xf32>, vector<512x32xf32>, vector<512x32xf32>, vector<512x32xf32> -> vector<2048x32xf32>
    %concatenate3A_69 = tpu.concatenate %concatenate3A_58, %concatenate3A_68 in 1 : vector<2048x32xf32>, vector<2048x32xf32> -> vector<2048x64xf32>
    %get3A_70 = arith.constant 0 : index
    %get3A_71 = arith.constant 0 : index
    %get3A_72 = vector.load %arg4[%get3A_70, %get3A_71] : memref<64x64xf32, #tpu.memory_space<vmem>>, vector<64x64xf32>
    %dot_general3A = arith.constant dense<0.000000e+00> : vector<2048x64xf32>
    %dot_general3A_73 = tpu.matmul %div3A_48, %get3A_72, %dot_general3A {dimension_numbers = #tpu.dot_dimension_numbers<[1], [1], [0], [0], [0, 0, 1, 0], [], []>, transpose_lhs_hint = false} : vector<2048x64xf32>, vector<64x64xf32>, vector<2048x64xf32> -> vector<2048x64xf32>
    %get3A_74 = arith.constant 0 : index
    %get3A_75 = arith.constant 0 : index
    %get3A_76 = vector.load %arg5[%get3A_74, %get3A_75] : memref<1x64xf32, #tpu.memory_space<vmem>>, vector<1x64xf32>
    %add3A_77 = vector.broadcast %get3A_76 : vector<1x64xf32> to vector<2048x64xf32>
    %add3A_78 = arith.addf %dot_general3A_73, %add3A_77 : vector<2048x64xf32>
    %get3A_79 = arith.constant 0 : index
    %get3A_80 = arith.constant 0 : index
    %get3A_81 = vector.load %arg6[%get3A_79, %get3A_80] : memref<64x64xf32, #tpu.memory_space<vmem>>, vector<64x64xf32>
    %dot_general3A_82 = arith.constant dense<0.000000e+00> : vector<2048x64xf32>
    %dot_general3A_83 = tpu.matmul %concatenate3A_69, %get3A_81, %dot_general3A_82 {dimension_numbers = #tpu.dot_dimension_numbers<[1], [1], [0], [0], [0, 0, 1, 0], [], []>, transpose_lhs_hint = false} : vector<2048x64xf32>, vector<64x64xf32>, vector<2048x64xf32> -> vector<2048x64xf32>
    %add3A_84 = arith.addf %add3A_78, %dot_general3A_83 : vector<2048x64xf32>
    %reduce_sum3A = arith.constant dense<0.000000e+00> : vector<2048xf32>
    %reduce_sum3A_85 = vector.multi_reduction <add>, %add3A_84, %reduce_sum3A [1] : vector<2048x64xf32> to vector<2048xf32>
    %broadcast_in_dim3A = vector.shape_cast %reduce_sum3A_85 : vector<2048xf32> to vector<2048x1xf32>
    %div3A_86 = arith.constant 6.400000e+01 : f32
    %div3A_87 = vector.broadcast %div3A_86 : f32 to vector<2048x1xf32>
    %div3A_88 = arith.divf %broadcast_in_dim3A, %div3A_87 : vector<2048x1xf32>
    %sub3A = vector.broadcast %div3A_88 : vector<2048x1xf32> to vector<2048x64xf32>
    %sub3A_89 = arith.subf %add3A_84, %sub3A : vector<2048x64xf32>
    %integer_pow3A = arith.mulf %sub3A_89, %sub3A_89 : vector<2048x64xf32>
    %reduce_sum3A_90 = arith.constant dense<0.000000e+00> : vector<2048xf32>
    %reduce_sum3A_91 = vector.multi_reduction <add>, %integer_pow3A, %reduce_sum3A_90 [1] : vector<2048x64xf32> to vector<2048xf32>
    %broadcast_in_dim3A_92 = vector.shape_cast %reduce_sum3A_91 : vector<2048xf32> to vector<2048x1xf32>
    %div3A_93 = arith.constant 6.400000e+01 : f32
    %div3A_94 = vector.broadcast %div3A_93 : f32 to vector<2048x1xf32>
    %div3A_95 = arith.divf %broadcast_in_dim3A_92, %div3A_94 : vector<2048x1xf32>
    %sub3A_96 = vector.broadcast %div3A_88 : vector<2048x1xf32> to vector<2048x64xf32>
    %sub3A_97 = arith.subf %add3A_84, %sub3A_96 : vector<2048x64xf32>
    %add3A_98 = arith.constant 9.99999974E-6 : f32
    %add3A_99 = vector.broadcast %add3A_98 : f32 to vector<2048x1xf32>
    %add3A_100 = arith.addf %div3A_95, %add3A_99 : vector<2048x1xf32>
    %sqrt3A = math.sqrt %add3A_100 : vector<2048x1xf32>
    %div3A_101 = vector.broadcast %sqrt3A : vector<2048x1xf32> to vector<2048x64xf32>
    %div3A_102 = arith.divf %sub3A_97, %div3A_101 : vector<2048x64xf32>
    %get3A_103 = arith.constant 0 : index
    %get3A_104 = arith.constant 0 : index
    %get3A_105 = vector.load %arg7[%get3A_103, %get3A_104] : memref<1x64xf32, #tpu.memory_space<vmem>>, vector<1x64xf32>
    %mul3A = vector.broadcast %get3A_105 : vector<1x64xf32> to vector<2048x64xf32>
    %mul3A_106 = arith.mulf %div3A_102, %mul3A : vector<2048x64xf32>
    %get3A_107 = arith.constant 0 : index
    %get3A_108 = arith.constant 0 : index
    %get3A_109 = vector.load %arg8[%get3A_107, %get3A_108] : memref<1x64xf32, #tpu.memory_space<vmem>>, vector<1x64xf32>
    %add3A_110 = vector.broadcast %get3A_109 : vector<1x64xf32> to vector<2048x64xf32>
    %add3A_111 = arith.addf %mul3A_106, %add3A_110 : vector<2048x64xf32>
    %max3A_112 = arith.constant 0.000000e+00 : f32
    %max3A_113 = vector.broadcast %max3A_112 : f32 to vector<2048x64xf32>
    %max3A_114 = arith.maximumf %add3A_111, %max3A_113 : vector<2048x64xf32>
    %add3A_115 = arith.addf %max3A_114, %concatenate3A_69 : vector<2048x64xf32>
    %slice3A_116 = vector.extract_strided_slice %add3A_115 {offsets = [0, 0], sizes = [2048, 32], strides = [1, 1]} : vector<2048x64xf32> to vector<2048x32xf32>
    %slice3A_117 = vector.extract_strided_slice %slice3A_116 {offsets = [0, 0], sizes = [512, 32], strides = [1, 1]} : vector<2048x32xf32> to vector<512x32xf32>
    %slice3A_118 = vector.extract_strided_slice %slice3A_116 {offsets = [512, 0], sizes = [512, 32], strides = [1, 1]} : vector<2048x32xf32> to vector<512x32xf32>
    %slice3A_119 = vector.extract_strided_slice %slice3A_116 {offsets = [1024, 0], sizes = [512, 32], strides = [1, 1]} : vector<2048x32xf32> to vector<512x32xf32>
    %slice3A_120 = vector.extract_strided_slice %slice3A_116 {offsets = [1536, 0], sizes = [512, 32], strides = [1, 1]} : vector<2048x32xf32> to vector<512x32xf32>
    %concatenate3A_121 = tpu.concatenate %slice3A_117, %slice3A_118, %slice3A_119, %slice3A_120 in 1 : vector<512x32xf32>, vector<512x32xf32>, vector<512x32xf32>, vector<512x32xf32> -> vector<512x128xf32>
    %swap3A = arith.constant 0 : index
    %swap3A_122 = arith.constant 0 : index
    %swap3A_123 = arith.constant 0 : index
    %swap3A_124 = vector.load %arg9[%swap3A, %swap3A_122, %swap3A_123] : memref<2x512x128xf32, #tpu.memory_space<vmem>>, vector<1x512x128xf32>
    %swap3A_125 = vector.shape_cast %swap3A_124 : vector<1x512x128xf32> to vector<512x128xf32>
    %swap3A_126 = vector.shape_cast %concatenate3A_121 : vector<512x128xf32> to vector<1x512x128xf32>
    tpu.vector_store %arg9[%swap3A, %swap3A_122, %swap3A_123], %swap3A_126 {strides = array<i32>} : memref<2x512x128xf32, #tpu.memory_space<vmem>>, vector<1x512x128xf32>,
    %slice3A_127 = vector.extract_strided_slice %add3A_115 {offsets = [0, 32], sizes = [2048, 32], strides = [1, 1]} : vector<2048x64xf32> to vector<2048x32xf32>
    %slice3A_128 = vector.extract_strided_slice %slice3A_127 {offsets = [0, 0], sizes = [512, 32], strides = [1, 1]} : vector<2048x32xf32> to vector<512x32xf32>
    %slice3A_129 = vector.extract_strided_slice %slice3A_127 {offsets = [512, 0], sizes = [512, 32], strides = [1, 1]} : vector<2048x32xf32> to vector<512x32xf32>
    %slice3A_130 = vector.extract_strided_slice %slice3A_127 {offsets = [1024, 0], sizes = [512, 32], strides = [1, 1]} : vector<2048x32xf32> to vector<512x32xf32>
    %slice3A_131 = vector.extract_strided_slice %slice3A_127 {offsets = [1536, 0], sizes = [512, 32], strides = [1, 1]} : vector<2048x32xf32> to vector<512x32xf32>
    %concatenate3A_132 = tpu.concatenate %slice3A_128, %slice3A_129, %slice3A_130, %slice3A_131 in 1 : vector<512x32xf32>, vector<512x32xf32>, vector<512x32xf32>, vector<512x32xf32> -> vector<512x128xf32>
    %swap3A_133 = arith.constant 1 : index
    %swap3A_134 = arith.constant 0 : index
    %swap3A_135 = arith.constant 0 : index
    %swap3A_136 = vector.load %arg9[%swap3A_133, %swap3A_134, %swap3A_135] : memref<2x512x128xf32, #tpu.memory_space<vmem>>, vector<1x512x128xf32>
    %swap3A_137 = vector.shape_cast %swap3A_136 : vector<1x512x128xf32> to vector<512x128xf32>
    %swap3A_138 = vector.shape_cast %concatenate3A_132 : vector<512x128xf32> to vector<1x512x128xf32>
    tpu.vector_store %arg9[%swap3A_133, %swap3A_134, %swap3A_135], %swap3A_138 {strides = array<i32>} : memref<2x512x128xf32, #tpu.memory_space<vmem>>, vector<1x512x128xf32>,
    return
  }
  func.func @transform_0(%arg0: i32) -> (i32, i32, i32) {
    %c0_i32 = arith.constant 0 : i32
    %c0_i32_0 = arith.constant 0 : i32
    %c0_i32_1 = arith.constant 0 : i32
    return %c0_i32, %arg0, %c0_i32_0 : i32, i32, i32
  }
  func.func @transform_1(%arg0: i32) -> (i32, i32, i32) {
    %c0_i32 = arith.constant 0 : i32
    %c0_i32_0 = arith.constant 0 : i32
    %c0_i32_1 = arith.constant 0 : i32
    return %c0_i32, %arg0, %c0_i32_0 : i32, i32, i32
  }
  func.func @transform_2(%arg0: i32) -> (i32, i32, i32) {
    %c0_i32 = arith.constant 0 : i32
    %c0_i32_0 = arith.constant 0 : i32
    %c0_i32_1 = arith.constant 0 : i32
    return %c0_i32, %arg0, %c0_i32_0 : i32, i32, i32
  }
  func.func @transform_3(%arg0: i32) -> (i32, i32) {
    %c0_i32 = arith.constant 0 : i32
    %c0_i32_0 = arith.constant 0 : i32
    %c0_i32_1 = arith.constant 0 : i32
    return %c0_i32, %c0_i32_0 : i32, i32
  }
  func.func @transform_4(%arg0: i32) -> (i32, i32) {
    %c0_i32 = arith.constant 0 : i32
    %c0_i32_0 = arith.constant 0 : i32
    %c0_i32_1 = arith.constant 0 : i32
    return %c0_i32, %c0_i32_0 : i32, i32
  }
  func.func @transform_5(%arg0: i32) -> (i32, i32) {
    %c0_i32 = arith.constant 0 : i32
    %c0_i32_0 = arith.constant 0 : i32
    %c0_i32_1 = arith.constant 0 : i32
    return %c0_i32, %c0_i32_0 : i32, i32
  }
  func.func @transform_6(%arg0: i32) -> (i32, i32) {
    %c0_i32 = arith.constant 0 : i32
    %c0_i32_0 = arith.constant 0 : i32
    %c0_i32_1 = arith.constant 0 : i32
    return %c0_i32, %c0_i32_0 : i32, i32
  }
  func.func @transform_7(%arg0: i32) -> (i32, i32) {
    %c0_i32 = arith.constant 0 : i32
    %c0_i32_0 = arith.constant 0 : i32
    %c0_i32_1 = arith.constant 0 : i32
    return %c0_i32, %c0_i32_0 : i32, i32
  }
  func.func @transform_8(%arg0: i32) -> (i32, i32, i32) {
    %c0_i32 = arith.constant 0 : i32
    %c0_i32_0 = arith.constant 0 : i32
    %c0_i32_1 = arith.constant 0 : i32
    return %c0_i32, %arg0, %c0_i32_0 : i32, i32, i32
  }
}

module attributes {stable_mosaic.version = 14 : i64} {
  func.func @_dense_final_body(%arg0: i32, %arg1: memref<2x512x128xf32, #tpu.memory_space<vmem>>, %arg2: memref<2x128x128xf32, #tpu.memory_space<vmem>>, %arg3: memref<2x512x128xf32, #tpu.memory_space<vmem>>, %arg4: memref<64x64xf32, #tpu.memory_space<vmem>>, %arg5: memref<1x64xf32, #tpu.memory_space<vmem>>, %arg6: memref<64x64xf32, #tpu.memory_space<vmem>>, %arg7: memref<1x64xf32, #tpu.memory_space<vmem>>, %arg8: memref<1x64xf32, #tpu.memory_space<vmem>>, %arg9: memref<32x64xf32, #tpu.memory_space<vmem>>, %arg10: memref<1x32xf32, #tpu.memory_space<vmem>>, %arg11: memref<1x32xf32, #tpu.memory_space<vmem>>, %arg12: memref<1x1xf32, #tpu.memory_space<vmem>>, %arg13: memref<2048x1xf32, #tpu.memory_space<vmem>>) attributes {dimension_semantics = [#tpu.dimension_semantics<arbitrary>], iteration_bounds = array<i64: 25>, scalar_prefetch = 0 : i64, scratch_operands = 0 : i64, tpu.core_type = #tpu.core_type<tc>, window_params = [{transform_indices = @transform_0, window_bounds = array<i64: 2, 512, 128>}, {transform_indices = @transform_1, window_bounds = array<i64: 2, 128, 128>}, {transform_indices = @transform_2, window_bounds = array<i64: 2, 512, 128>}, {pipeline_mode = #tpu.pipeline_mode<synchronous>, transform_indices = @transform_3, window_bounds = array<i64: 64, 64>}, {pipeline_mode = #tpu.pipeline_mode<synchronous>, transform_indices = @transform_4, window_bounds = array<i64: 1, 64>}, {pipeline_mode = #tpu.pipeline_mode<synchronous>, transform_indices = @transform_5, window_bounds = array<i64: 64, 64>}, {pipeline_mode = #tpu.pipeline_mode<synchronous>, transform_indices = @transform_6, window_bounds = array<i64: 1, 64>}, {pipeline_mode = #tpu.pipeline_mode<synchronous>, transform_indices = @transform_7, window_bounds = array<i64: 1, 64>}, {pipeline_mode = #tpu.pipeline_mode<synchronous>, transform_indices = @transform_8, window_bounds = array<i64: 32, 64>}, {pipeline_mode = #tpu.pipeline_mode<synchronous>, transform_indices = @transform_9, window_bounds = array<i64: 1, 32>}, {pipeline_mode = #tpu.pipeline_mode<synchronous>, transform_indices = @transform_10, window_bounds = array<i64: 1, 32>}, {pipeline_mode = #tpu.pipeline_mode<synchronous>, transform_indices = @transform_11, window_bounds = array<i64: 1, 1>}, {transform_indices = @transform_12, window_bounds = array<i64: 2048, 1>}]} {
    %get3A = arith.constant 0 : index
    %get3A_0 = arith.constant 0 : index
    %get3A_1 = arith.constant 0 : index
    %get3A_2 = vector.load %arg1[%get3A, %get3A_0, %get3A_1] : memref<2x512x128xf32, #tpu.memory_space<vmem>>, vector<1x512x128xf32>
    %get3A_3 = vector.shape_cast %get3A_2 : vector<1x512x128xf32> to vector<512x128xf32>
    %slice3A = vector.extract_strided_slice %get3A_3 {offsets = [0, 0], sizes = [512, 32], strides = [1, 1]} : vector<512x128xf32> to vector<512x32xf32>
    %slice3A_4 = vector.extract_strided_slice %get3A_3 {offsets = [0, 32], sizes = [512, 32], strides = [1, 1]} : vector<512x128xf32> to vector<512x32xf32>
    %slice3A_5 = vector.extract_strided_slice %get3A_3 {offsets = [0, 64], sizes = [512, 32], strides = [1, 1]} : vector<512x128xf32> to vector<512x32xf32>
    %slice3A_6 = vector.extract_strided_slice %get3A_3 {offsets = [0, 96], sizes = [512, 32], strides = [1, 1]} : vector<512x128xf32> to vector<512x32xf32>
    %concatenate3A = tpu.concatenate %slice3A, %slice3A_4, %slice3A_5, %slice3A_6 in 0 : vector<512x32xf32>, vector<512x32xf32>, vector<512x32xf32>, vector<512x32xf32> -> vector<2048x32xf32>
    %get3A_7 = arith.constant 1 : index
    %get3A_8 = arith.constant 0 : index
    %get3A_9 = arith.constant 0 : index
    %get3A_10 = vector.load %arg1[%get3A_7, %get3A_8, %get3A_9] : memref<2x512x128xf32, #tpu.memory_space<vmem>>, vector<1x512x128xf32>
    %get3A_11 = vector.shape_cast %get3A_10 : vector<1x512x128xf32> to vector<512x128xf32>
    %slice3A_12 = vector.extract_strided_slice %get3A_11 {offsets = [0, 0], sizes = [512, 32], strides = [1, 1]} : vector<512x128xf32> to vector<512x32xf32>
    %slice3A_13 = vector.extract_strided_slice %get3A_11 {offsets = [0, 32], sizes = [512, 32], strides = [1, 1]} : vector<512x128xf32> to vector<512x32xf32>
    %slice3A_14 = vector.extract_strided_slice %get3A_11 {offsets = [0, 64], sizes = [512, 32], strides = [1, 1]} : vector<512x128xf32> to vector<512x32xf32>
    %slice3A_15 = vector.extract_strided_slice %get3A_11 {offsets = [0, 96], sizes = [512, 32], strides = [1, 1]} : vector<512x128xf32> to vector<512x32xf32>
    %concatenate3A_16 = tpu.concatenate %slice3A_12, %slice3A_13, %slice3A_14, %slice3A_15 in 0 : vector<512x32xf32>, vector<512x32xf32>, vector<512x32xf32>, vector<512x32xf32> -> vector<2048x32xf32>
    %concatenate3A_17 = tpu.concatenate %concatenate3A, %concatenate3A_16 in 1 : vector<2048x32xf32>, vector<2048x32xf32> -> vector<2048x64xf32>
    %get3A_18 = arith.constant 0 : index
    %get3A_19 = arith.constant 0 : index
    %get3A_20 = arith.constant 0 : index
    %get3A_21 = vector.load %arg2[%get3A_18, %get3A_19, %get3A_20] : memref<2x128x128xf32, #tpu.memory_space<vmem>>, vector<1x128x128xf32>
    %get3A_22 = vector.shape_cast %get3A_21 : vector<1x128x128xf32> to vector<128x128xf32>
    %get3A_23 = arith.constant 1 : index
    %get3A_24 = arith.constant 0 : index
    %get3A_25 = arith.constant 0 : index
    %get3A_26 = vector.load %arg2[%get3A_23, %get3A_24, %get3A_25] : memref<2x128x128xf32, #tpu.memory_space<vmem>>, vector<1x128x128xf32>
    %get3A_27 = vector.shape_cast %get3A_26 : vector<1x128x128xf32> to vector<128x128xf32>
    %add3A = arith.addf %get3A_22, %get3A_27 : vector<128x128xf32>
    %slice3A_28 = vector.extract_strided_slice %add3A {offsets = [0, 0], sizes = [128, 8], strides = [1, 1]} : vector<128x128xf32> to vector<128x8xf32>
    %slice3A_29 = vector.extract_strided_slice %add3A {offsets = [0, 8], sizes = [128, 8], strides = [1, 1]} : vector<128x128xf32> to vector<128x8xf32>
    %slice3A_30 = vector.extract_strided_slice %add3A {offsets = [0, 16], sizes = [128, 8], strides = [1, 1]} : vector<128x128xf32> to vector<128x8xf32>
    %slice3A_31 = vector.extract_strided_slice %add3A {offsets = [0, 24], sizes = [128, 8], strides = [1, 1]} : vector<128x128xf32> to vector<128x8xf32>
    %slice3A_32 = vector.extract_strided_slice %add3A {offsets = [0, 32], sizes = [128, 8], strides = [1, 1]} : vector<128x128xf32> to vector<128x8xf32>
    %slice3A_33 = vector.extract_strided_slice %add3A {offsets = [0, 40], sizes = [128, 8], strides = [1, 1]} : vector<128x128xf32> to vector<128x8xf32>
    %slice3A_34 = vector.extract_strided_slice %add3A {offsets = [0, 48], sizes = [128, 8], strides = [1, 1]} : vector<128x128xf32> to vector<128x8xf32>
    %slice3A_35 = vector.extract_strided_slice %add3A {offsets = [0, 56], sizes = [128, 8], strides = [1, 1]} : vector<128x128xf32> to vector<128x8xf32>
    %slice3A_36 = vector.extract_strided_slice %add3A {offsets = [0, 64], sizes = [128, 8], strides = [1, 1]} : vector<128x128xf32> to vector<128x8xf32>
    %slice3A_37 = vector.extract_strided_slice %add3A {offsets = [0, 72], sizes = [128, 8], strides = [1, 1]} : vector<128x128xf32> to vector<128x8xf32>
    %slice3A_38 = vector.extract_strided_slice %add3A {offsets = [0, 80], sizes = [128, 8], strides = [1, 1]} : vector<128x128xf32> to vector<128x8xf32>
    %slice3A_39 = vector.extract_strided_slice %add3A {offsets = [0, 88], sizes = [128, 8], strides = [1, 1]} : vector<128x128xf32> to vector<128x8xf32>
    %slice3A_40 = vector.extract_strided_slice %add3A {offsets = [0, 96], sizes = [128, 8], strides = [1, 1]} : vector<128x128xf32> to vector<128x8xf32>
    %slice3A_41 = vector.extract_strided_slice %add3A {offsets = [0, 104], sizes = [128, 8], strides = [1, 1]} : vector<128x128xf32> to vector<128x8xf32>
    %slice3A_42 = vector.extract_strided_slice %add3A {offsets = [0, 112], sizes = [128, 8], strides = [1, 1]} : vector<128x128xf32> to vector<128x8xf32>
    %slice3A_43 = vector.extract_strided_slice %add3A {offsets = [0, 120], sizes = [128, 8], strides = [1, 1]} : vector<128x128xf32> to vector<128x8xf32>
    %concatenate3A_44 = tpu.concatenate %slice3A_28, %slice3A_29, %slice3A_30, %slice3A_31, %slice3A_32, %slice3A_33, %slice3A_34, %slice3A_35, %slice3A_36, %slice3A_37, %slice3A_38, %slice3A_39, %slice3A_40, %slice3A_41, %slice3A_42, %slice3A_43 in 0 : vector<128x8xf32>, vector<128x8xf32>, vector<128x8xf32>, vector<128x8xf32>, vector<128x8xf32>, vector<128x8xf32>, vector<128x8xf32>, vector<128x8xf32>, vector<128x8xf32>, vector<128x8xf32>, vector<128x8xf32>, vector<128x8xf32>, vector<128x8xf32>, vector<128x8xf32>, vector<128x8xf32>, vector<128x8xf32> -> vector<2048x8xf32>
    %slice3A_45 = vector.extract_strided_slice %concatenate3A_44 {offsets = [0, 0], sizes = [2048, 1], strides = [1, 1]} : vector<2048x8xf32> to vector<2048x1xf32>
    %max3A = arith.constant 1.000000e+00 : f32
    %max3A_46 = vector.broadcast %max3A : f32 to vector<2048x1xf32>
    %max3A_47 = arith.maximumf %slice3A_45, %max3A_46 : vector<2048x1xf32>
    %div3A = vector.broadcast %max3A_47 : vector<2048x1xf32> to vector<2048x64xf32>
    %div3A_48 = arith.divf %concatenate3A_17, %div3A : vector<2048x64xf32>
    %get3A_49 = arith.constant 0 : index
    %get3A_50 = arith.constant 0 : index
    %get3A_51 = arith.constant 0 : index
    %get3A_52 = vector.load %arg3[%get3A_49, %get3A_50, %get3A_51] : memref<2x512x128xf32, #tpu.memory_space<vmem>>, vector<1x512x128xf32>
    %get3A_53 = vector.shape_cast %get3A_52 : vector<1x512x128xf32> to vector<512x128xf32>
    %slice3A_54 = vector.extract_strided_slice %get3A_53 {offsets = [0, 0], sizes = [512, 32], strides = [1, 1]} : vector<512x128xf32> to vector<512x32xf32>
    %slice3A_55 = vector.extract_strided_slice %get3A_53 {offsets = [0, 32], sizes = [512, 32], strides = [1, 1]} : vector<512x128xf32> to vector<512x32xf32>
    %slice3A_56 = vector.extract_strided_slice %get3A_53 {offsets = [0, 64], sizes = [512, 32], strides = [1, 1]} : vector<512x128xf32> to vector<512x32xf32>
    %slice3A_57 = vector.extract_strided_slice %get3A_53 {offsets = [0, 96], sizes = [512, 32], strides = [1, 1]} : vector<512x128xf32> to vector<512x32xf32>
    %concatenate3A_58 = tpu.concatenate %slice3A_54, %slice3A_55, %slice3A_56, %slice3A_57 in 0 : vector<512x32xf32>, vector<512x32xf32>, vector<512x32xf32>, vector<512x32xf32> -> vector<2048x32xf32>
    %get3A_59 = arith.constant 1 : index
    %get3A_60 = arith.constant 0 : index
    %get3A_61 = arith.constant 0 : index
    %get3A_62 = vector.load %arg3[%get3A_59, %get3A_60, %get3A_61] : memref<2x512x128xf32, #tpu.memory_space<vmem>>, vector<1x512x128xf32>
    %get3A_63 = vector.shape_cast %get3A_62 : vector<1x512x128xf32> to vector<512x128xf32>
    %slice3A_64 = vector.extract_strided_slice %get3A_63 {offsets = [0, 0], sizes = [512, 32], strides = [1, 1]} : vector<512x128xf32> to vector<512x32xf32>
    %slice3A_65 = vector.extract_strided_slice %get3A_63 {offsets = [0, 32], sizes = [512, 32], strides = [1, 1]} : vector<512x128xf32> to vector<512x32xf32>
    %slice3A_66 = vector.extract_strided_slice %get3A_63 {offsets = [0, 64], sizes = [512, 32], strides = [1, 1]} : vector<512x128xf32> to vector<512x32xf32>
    %slice3A_67 = vector.extract_strided_slice %get3A_63 {offsets = [0, 96], sizes = [512, 32], strides = [1, 1]} : vector<512x128xf32> to vector<512x32xf32>
    %concatenate3A_68 = tpu.concatenate %slice3A_64, %slice3A_65, %slice3A_66, %slice3A_67 in 0 : vector<512x32xf32>, vector<512x32xf32>, vector<512x32xf32>, vector<512x32xf32> -> vector<2048x32xf32>
    %concatenate3A_69 = tpu.concatenate %concatenate3A_58, %concatenate3A_68 in 1 : vector<2048x32xf32>, vector<2048x32xf32> -> vector<2048x64xf32>
    %get3A_70 = arith.constant 0 : index
    %get3A_71 = arith.constant 0 : index
    %get3A_72 = vector.load %arg4[%get3A_70, %get3A_71] : memref<64x64xf32, #tpu.memory_space<vmem>>, vector<64x64xf32>
    %dot_general3A = arith.constant dense<0.000000e+00> : vector<2048x64xf32>
    %dot_general3A_73 = tpu.matmul %div3A_48, %get3A_72, %dot_general3A {dimension_numbers = #tpu.dot_dimension_numbers<[1], [1], [0], [0], [0, 0, 1, 0], [], []>, transpose_lhs_hint = false} : vector<2048x64xf32>, vector<64x64xf32>, vector<2048x64xf32> -> vector<2048x64xf32>
    %get3A_74 = arith.constant 0 : index
    %get3A_75 = arith.constant 0 : index
    %get3A_76 = vector.load %arg5[%get3A_74, %get3A_75] : memref<1x64xf32, #tpu.memory_space<vmem>>, vector<1x64xf32>
    %add3A_77 = vector.broadcast %get3A_76 : vector<1x64xf32> to vector<2048x64xf32>
    %add3A_78 = arith.addf %dot_general3A_73, %add3A_77 : vector<2048x64xf32>
    %get3A_79 = arith.constant 0 : index
    %get3A_80 = arith.constant 0 : index
    %get3A_81 = vector.load %arg6[%get3A_79, %get3A_80] : memref<64x64xf32, #tpu.memory_space<vmem>>, vector<64x64xf32>
    %dot_general3A_82 = arith.constant dense<0.000000e+00> : vector<2048x64xf32>
    %dot_general3A_83 = tpu.matmul %concatenate3A_69, %get3A_81, %dot_general3A_82 {dimension_numbers = #tpu.dot_dimension_numbers<[1], [1], [0], [0], [0, 0, 1, 0], [], []>, transpose_lhs_hint = false} : vector<2048x64xf32>, vector<64x64xf32>, vector<2048x64xf32> -> vector<2048x64xf32>
    %add3A_84 = arith.addf %add3A_78, %dot_general3A_83 : vector<2048x64xf32>
    %reduce_sum3A = arith.constant dense<0.000000e+00> : vector<2048xf32>
    %reduce_sum3A_85 = vector.multi_reduction <add>, %add3A_84, %reduce_sum3A [1] : vector<2048x64xf32> to vector<2048xf32>
    %broadcast_in_dim3A = vector.shape_cast %reduce_sum3A_85 : vector<2048xf32> to vector<2048x1xf32>
    %div3A_86 = arith.constant 6.400000e+01 : f32
    %div3A_87 = vector.broadcast %div3A_86 : f32 to vector<2048x1xf32>
    %div3A_88 = arith.divf %broadcast_in_dim3A, %div3A_87 : vector<2048x1xf32>
    %sub3A = vector.broadcast %div3A_88 : vector<2048x1xf32> to vector<2048x64xf32>
    %sub3A_89 = arith.subf %add3A_84, %sub3A : vector<2048x64xf32>
    %integer_pow3A = arith.mulf %sub3A_89, %sub3A_89 : vector<2048x64xf32>
    %reduce_sum3A_90 = arith.constant dense<0.000000e+00> : vector<2048xf32>
    %reduce_sum3A_91 = vector.multi_reduction <add>, %integer_pow3A, %reduce_sum3A_90 [1] : vector<2048x64xf32> to vector<2048xf32>
    %broadcast_in_dim3A_92 = vector.shape_cast %reduce_sum3A_91 : vector<2048xf32> to vector<2048x1xf32>
    %div3A_93 = arith.constant 6.400000e+01 : f32
    %div3A_94 = vector.broadcast %div3A_93 : f32 to vector<2048x1xf32>
    %div3A_95 = arith.divf %broadcast_in_dim3A_92, %div3A_94 : vector<2048x1xf32>
    %sub3A_96 = vector.broadcast %div3A_88 : vector<2048x1xf32> to vector<2048x64xf32>
    %sub3A_97 = arith.subf %add3A_84, %sub3A_96 : vector<2048x64xf32>
    %add3A_98 = arith.constant 9.99999974E-6 : f32
    %add3A_99 = vector.broadcast %add3A_98 : f32 to vector<2048x1xf32>
    %add3A_100 = arith.addf %div3A_95, %add3A_99 : vector<2048x1xf32>
    %sqrt3A = math.sqrt %add3A_100 : vector<2048x1xf32>
    %div3A_101 = vector.broadcast %sqrt3A : vector<2048x1xf32> to vector<2048x64xf32>
    %div3A_102 = arith.divf %sub3A_97, %div3A_101 : vector<2048x64xf32>
    %get3A_103 = arith.constant 0 : index
    %get3A_104 = arith.constant 0 : index
    %get3A_105 = vector.load %arg7[%get3A_103, %get3A_104] : memref<1x64xf32, #tpu.memory_space<vmem>>, vector<1x64xf32>
    %mul3A = vector.broadcast %get3A_105 : vector<1x64xf32> to vector<2048x64xf32>
    %mul3A_106 = arith.mulf %div3A_102, %mul3A : vector<2048x64xf32>
    %get3A_107 = arith.constant 0 : index
    %get3A_108 = arith.constant 0 : index
    %get3A_109 = vector.load %arg8[%get3A_107, %get3A_108] : memref<1x64xf32, #tpu.memory_space<vmem>>, vector<1x64xf32>
    %add3A_110 = vector.broadcast %get3A_109 : vector<1x64xf32> to vector<2048x64xf32>
    %add3A_111 = arith.addf %mul3A_106, %add3A_110 : vector<2048x64xf32>
    %max3A_112 = arith.constant 0.000000e+00 : f32
    %max3A_113 = vector.broadcast %max3A_112 : f32 to vector<2048x64xf32>
    %max3A_114 = arith.maximumf %add3A_111, %max3A_113 : vector<2048x64xf32>
    %add3A_115 = arith.addf %max3A_114, %concatenate3A_69 : vector<2048x64xf32>
    %get3A_116 = arith.constant 0 : index
    %get3A_117 = arith.constant 0 : index
    %get3A_118 = vector.load %arg9[%get3A_116, %get3A_117] : memref<32x64xf32, #tpu.memory_space<vmem>>, vector<32x64xf32>
    %dot_general3A_119 = arith.constant dense<0.000000e+00> : vector<2048x32xf32>
    %dot_general3A_120 = tpu.matmul %add3A_115, %get3A_118, %dot_general3A_119 {dimension_numbers = #tpu.dot_dimension_numbers<[1], [1], [0], [0], [0, 0, 1, 0], [], []>, transpose_lhs_hint = false} : vector<2048x64xf32>, vector<32x64xf32>, vector<2048x32xf32> -> vector<2048x32xf32>
    %get3A_121 = arith.constant 0 : index
    %get3A_122 = arith.constant 0 : index
    %get3A_123 = vector.load %arg10[%get3A_121, %get3A_122] : memref<1x32xf32, #tpu.memory_space<vmem>>, vector<1x32xf32>
    %add3A_124 = vector.broadcast %get3A_123 : vector<1x32xf32> to vector<2048x32xf32>
    %add3A_125 = arith.addf %dot_general3A_120, %add3A_124 : vector<2048x32xf32>
    %max3A_126 = arith.constant 0.000000e+00 : f32
    %max3A_127 = vector.broadcast %max3A_126 : f32 to vector<2048x32xf32>
    %max3A_128 = arith.maximumf %add3A_125, %max3A_127 : vector<2048x32xf32>
    %get3A_129 = arith.constant 0 : index
    %get3A_130 = arith.constant 0 : index
    %get3A_131 = vector.load %arg11[%get3A_129, %get3A_130] : memref<1x32xf32, #tpu.memory_space<vmem>>, vector<1x32xf32>
    %mul3A_132 = vector.broadcast %get3A_131 : vector<1x32xf32> to vector<2048x32xf32>
    %mul3A_133 = arith.mulf %max3A_128, %mul3A_132 : vector<2048x32xf32>
    %reduce_sum3A_134 = arith.constant dense<0.000000e+00> : vector<2048xf32>
    %reduce_sum3A_135 = vector.multi_reduction <add>, %mul3A_133, %reduce_sum3A_134 [1] : vector<2048x32xf32> to vector<2048xf32>
    %broadcast_in_dim3A_136 = vector.shape_cast %reduce_sum3A_135 : vector<2048xf32> to vector<2048x1xf32>
    %get3A_137 = arith.constant 0 : index
    %get3A_138 = arith.constant 0 : index
    %get3A_139 = vector.load %arg12[%get3A_137, %get3A_138] : memref<1x1xf32, #tpu.memory_space<vmem>>, vector<1x1xf32>
    %get3A_140 = vector.extract %get3A_139[0, 0] : f32 from vector<1x1xf32>
    %add3A_141 = vector.broadcast %get3A_140 : f32 to vector<2048x1xf32>
    %add3A_142 = arith.addf %broadcast_in_dim3A_136, %add3A_141 : vector<2048x1xf32>
    %swap3A = arith.constant 0 : index
    %swap3A_143 = arith.constant 0 : index
    %swap3A_144 = vector.load %arg13[%swap3A, %swap3A_143] : memref<2048x1xf32, #tpu.memory_space<vmem>>, vector<2048x1xf32>
    tpu.vector_store %arg13[%swap3A, %swap3A_143], %add3A_142 {strides = array<i32>} : memref<2048x1xf32, #tpu.memory_space<vmem>>, vector<2048x1xf32>,
    return
  }
  func.func @transform_0(%arg0: i32) -> (i32, i32, i32) {
    %c0_i32 = arith.constant 0 : i32
    %c0_i32_0 = arith.constant 0 : i32
    %c0_i32_1 = arith.constant 0 : i32
    return %c0_i32, %arg0, %c0_i32_0 : i32, i32, i32
  }
  func.func @transform_1(%arg0: i32) -> (i32, i32, i32) {
    %c0_i32 = arith.constant 0 : i32
    %c0_i32_0 = arith.constant 0 : i32
    %c0_i32_1 = arith.constant 0 : i32
    return %c0_i32, %arg0, %c0_i32_0 : i32, i32, i32
  }
  func.func @transform_2(%arg0: i32) -> (i32, i32, i32) {
    %c0_i32 = arith.constant 0 : i32
    %c0_i32_0 = arith.constant 0 : i32
    %c0_i32_1 = arith.constant 0 : i32
    return %c0_i32, %arg0, %c0_i32_0 : i32, i32, i32
  }
  func.func @transform_3(%arg0: i32) -> (i32, i32) {
    %c0_i32 = arith.constant 0 : i32
    %c0_i32_0 = arith.constant 0 : i32
    %c0_i32_1 = arith.constant 0 : i32
    return %c0_i32, %c0_i32_0 : i32, i32
  }
  func.func @transform_4(%arg0: i32) -> (i32, i32) {
    %c0_i32 = arith.constant 0 : i32
    %c0_i32_0 = arith.constant 0 : i32
    %c0_i32_1 = arith.constant 0 : i32
    return %c0_i32, %c0_i32_0 : i32, i32
  }
  func.func @transform_5(%arg0: i32) -> (i32, i32) {
    %c0_i32 = arith.constant 0 : i32
    %c0_i32_0 = arith.constant 0 : i32
    %c0_i32_1 = arith.constant 0 : i32
    return %c0_i32, %c0_i32_0 : i32, i32
  }
  func.func @transform_6(%arg0: i32) -> (i32, i32) {
    %c0_i32 = arith.constant 0 : i32
    %c0_i32_0 = arith.constant 0 : i32
    %c0_i32_1 = arith.constant 0 : i32
    return %c0_i32, %c0_i32_0 : i32, i32
  }
  func.func @transform_7(%arg0: i32) -> (i32, i32) {
    %c0_i32 = arith.constant 0 : i32
    %c0_i32_0 = arith.constant 0 : i32
    %c0_i32_1 = arith.constant 0 : i32
    return %c0_i32, %c0_i32_0 : i32, i32
  }
  func.func @transform_8(%arg0: i32) -> (i32, i32) {
    %c0_i32 = arith.constant 0 : i32
    %c0_i32_0 = arith.constant 0 : i32
    %c0_i32_1 = arith.constant 0 : i32
    return %c0_i32, %c0_i32_0 : i32, i32
  }
  func.func @transform_9(%arg0: i32) -> (i32, i32) {
    %c0_i32 = arith.constant 0 : i32
    %c0_i32_0 = arith.constant 0 : i32
    %c0_i32_1 = arith.constant 0 : i32
    return %c0_i32, %c0_i32_0 : i32, i32
  }
  func.func @transform_10(%arg0: i32) -> (i32, i32) {
    %c0_i32 = arith.constant 0 : i32
    %c0_i32_0 = arith.constant 0 : i32
    %c0_i32_1 = arith.constant 0 : i32
    return %c0_i32, %c0_i32_0 : i32, i32
  }
  func.func @transform_11(%arg0: i32) -> (i32, i32) {
    %c0_i32 = arith.constant 0 : i32
    %c0_i32_0 = arith.constant 0 : i32
    %c0_i32_1 = arith.constant 0 : i32
    return %c0_i32, %c0_i32_0 : i32, i32
  }
  func.func @transform_12(%arg0: i32) -> (i32, i32) {
    %c0_i32 = arith.constant 0 : i32
    %c0_i32_0 = arith.constant 0 : i32
    return %arg0, %c0_i32 : i32, i32
  }
}

</mosaic_0001>

<sc_bundles>
// kernel: kernel.11.cloned.1.call-start
scs
__scs_entry_jumppad:
0x0: {  	(pc) =	sbr.rel $0x88, $3  }
0x1: {  	(tag) =	ssettag $0x0;
	lr =	simm.s32 $0x1  }
0x2: {  	[smem:$0x3F8F] =	sst lr;
	_ =	strace $0xD0000000  }
0x3: {  	_ = 	snop  }
0x4: {  	_ = 	snop  }
0x5: {  	_ = 	snop  }
0x6: {  	_ = 	snop  }
0x7: {  	_ = 	snop  }
__scs_overlays_trampoline_lowered:
0x8: {  	[smem:$0x3F9E] =	sst s0  }
0x9: {  	[smem:$0x3F9F] =	sst s1  }
0xa: {  	[smem:$0x3FA0] =	sst s2  }
0xb: {  	[smem:$0x3FA1] =	sst s3  }
0xc: {  	[smem:$0x3FA2] =	sst s4  }
0xd: {  	[smem:$0x3FA3] =	sst s5  }
0xe: {  	[smem:$0x3FA4] =	sst s6  }
0xf: {  	[smem:$0x3FA5] =	sst s7  }
0x10: {  	[smem:$0x3FA6] =	sst s8  }
0x11: {  	[smem:$0x3FA7] =	sst s9;
	s0 =	simm.s32 @!p0 $0x0  }
0x12: {  	s1 =	sld [smem:$0x3F8D];
	s0 =	simm.s32 @p0 $0x1  }
0x13: {  	[smem:$0x3FA8] =	sst s0;
	s0 =	simm.s32 @!p1 $0x0  }
0x14: {  	s2 =	sld [smem:$0x3F8C];
	s0 =	simm.s32 @p1 $0x1  }
0x15: {  	[smem:$0x3FA9] =	sst s0;
	s0 =	simm.s32 @!p2 $0x0  }
0x16: {  	s3 =	sld [smem:$0x3FDB];
	s0 =	simm.s32 @p2 $0x1  }
0x17: {  	s4 =	simm.s32 $0x1BF5;
	[smem:$0x3FAB] =	sst s0  }
0x18: {  	s0 =	sld [smem:$0x3F8E];
	_ =	swait.ge [sflag:s4], $0x0  }
0x19: {  	s7 =	sld [smem:$0x3F8F]  }
0x1a: {  	s8 =	sadd.s32 $0xFFFFE003, lr  }
0x1b: {  	s9 =	sadd.s32 $0xFFFFFEF7, lr;
	s5 =	simm.s32 $0xFFFFFFFF;
	p2 =	slt.u32 s8, $0xFFFFF086  }
0x1c: {  	p1 =	slt.u32 s9, $0xF7A;
	s5 =	simm.s32 @!p2 $0x0  }
0x1d: {  	s5 =	simm.s32 @p1 $0x1;
	p0 =	seq.s32 s7, s2  }
0x1e: {  	s7 =	smul.u32 @!p0 $0xF7A, s2;
	p2 =	seq.s32 @!p0 s5, $0x0  }
0x1f: {  	s9 =	smul.u32 $0xF7A, s1;
	s8 =	simm.s32 @!p0 $0x1BF5;
	p2 =	por !p2, p0  }
0x20: {  	[sflag:s8] =	ssyncset.s32 @!p0 $0xFFFFF086;
	s6 =	sadd.s32 @!p0 s3, s7;
	s7 =	simm.s32 @!p0 $0x108  }
0x21: {  	s3 =	sadd.s32 s3, s9;
	s6 =	sadd.s32 @!p0 $0x88, s6;
	s7 =	simm.s32 @p2 $0x1082  }
0x22: {  	[simem:s7], [sflag:s8] =	dma.local @!p0 [hbm:s6], $0xF7A  }
0x23: {  	s9 =	sor.u32 $0xD0000000, s2;
	s6 =	simm.s32 $0x108;
	_ =	swait.ge @!p0 [sflag:s8], $0x0  }
0x24: {  	s3 =	sadd.s32 $0x88, s3;
	s6 =	simm.s32 @!p1 $0x1082;
	[sflag:s4] =	ssyncset.s32 $0xFFFFF086  }
0x25: {  	[simem:s6], [sflag:s4] =	dma.local [hbm:s3], $0xF7A  }
0x26: {  	[smem:$0x3F8F] =	sst s1;
	(tag) =	ssettag s2;
	_ =	strace s9  }
0x27: {  	s1 =	sld [smem:$0x3F9F]  }
0x28: {  	s2 =	sld [smem:$0x3FA0]  }
0x29: {  	s4 =	sld [smem:$0x3FA2]  }
0x2a: {  	p0 =	seq.s32 s5, $0x0;
	s5 =	sld [smem:$0x3FA3]  }
0x2b: {  	s6 =	sld [smem:$0x3FA4]  }
0x2c: {  	s7 =	sld [smem:$0x3FA5]  }
0x2d: {  	s3 =	simm.s32 $0x108;
	s8 =	sld [smem:$0x3FA6]  }
0x2e: {  	s3 =	simm.s32 @!p0 $0x1082;
	s9 =	sld [smem:$0x3FA7]  }
0x2f: {  	lr =	sadd.s32 s0, s3;
	s0 =	sld [smem:$0x3F9E]  }
0x30: {  	s3 =	sld [smem:$0x3FA1]  }
0x31: {  	[smem:$0x3FAA] =	sst s10  }
0x32: {  	s10 =	sld [smem:$0x3FA8];
	_ =	sdelay $0x3  }
0x33: {  	p0 =	seq.s32 s10, $0x1;
	s10 =	sld [smem:$0x3FAA];
	_ =	sdelay $0x3  }
0x34: {  	[smem:$0x3FAA] =	sst s10  }
0x35: {  	s10 =	sld [smem:$0x3FA9];
	_ =	sdelay $0x3  }
0x36: {  	p1 =	seq.s32 s10, $0x1;
	s10 =	sld [smem:$0x3FAA];
	_ =	sdelay $0x3  }
0x37: {  	[smem:$0x3FAA] =	sst s10  }
0x38: {  	s10 =	sld [smem:$0x3FAB]  }
0x39: {  	_ = 	snop;
	(pc) =	sbr.ind lr, $3  }
0x3a: {  	_ = 	snop  }
0x3b: {  	_ = 	snop  }
0x3c: {  	p2 =	seq.s32 s10, $0x1;
	s10 =	sld [smem:$0x3FAA]  }
0x3d: {  	_ =	shalt  }
0x3e: {  	_ =	shalt  }
0x3f: {  	_ =	shalt  }
0x40: {  	_ =	shalt  }
0x41: {  	_ =	shalt  }
0x42: {  	_ =	shalt  }
0x43: {  	_ =	shalt  }
0x44: {  	_ =	shalt  }
0x45: {  	_ =	shalt  }
0x46: {  	_ =	shalt  }
0x47: {  	_ =	shalt  }
0x48: {  	_ =	shalt  }
0x49: {  	_ =	shalt  }
0x4a: {  	_ =	shalt  }
0x4b: {  	_ =	shalt  }
0x4c: {  	_ =	shalt  }
0x4d: {  	_ =	shalt  }
0x4e: {  	_ =	shalt  }
0x4f: {  	_ =	shalt  }
0x50: {  	_ =	shalt  }
0x51: {  	_ =	shalt  }
0x52: {  	_ =	shalt  }
0x53: {  	_ =	shalt  }
0x54: {  	_ =	shalt  }
0x55: {  	_ =	shalt  }
0x56: {  	_ =	shalt  }
0x57: {  	_ =	shalt  }
0x58: {  	_ =	shalt  }
0x59: {  	_ =	shalt  }
0x5a: {  	_ =	shalt  }
0x5b: {  	_ =	shalt  }
0x5c: {  	_ =	shalt  }
0x5d: {  	_ =	shalt  }
0x5e: {  	_ =	shalt  }
0x5f: {  	_ =	shalt  }
0x60: {  	_ =	shalt  }
0x61: {  	_ =	shalt  }
0x62: {  	_ =	shalt  }
0x63: {  	_ =	shalt  }
0x64: {  	_ =	shalt  }
0x65: {  	_ =	shalt  }
0x66: {  	_ =	shalt  }
0x67: {  	_ =	shalt  }
0x68: {  	_ =	shalt  }
0x69: {  	_ =	shalt  }
0x6a: {  	_ =	shalt  }
0x6b: {  	_ =	shalt  }
0x6c: {  	_ =	shalt  }
0x6d: {  	_ =	shalt  }
0x6e: {  	_ =	shalt  }
0x6f: {  	_ =	shalt  }
0x70: {  	_ =	shalt  }
0x71: {  	_ =	shalt  }
0x72: {  	_ =	shalt  }
0x73: {  	_ =	shalt  }
0x74: {  	_ =	shalt  }
0x75: {  	_ =	shalt  }
0x76: {  	_ =	shalt  }
0x77: {  	_ =	shalt  }
0x78: {  	_ =	shalt  }
0x79: {  	_ =	shalt  }
0x7a: {  	_ =	shalt  }
0x7b: {  	_ =	shalt  }
0x7c: {  	_ =	shalt  }
0x7d: {  	_ =	shalt  }
0x7e: {  	_ =	shalt  }
0x7f: {  	_ =	shalt  }
0x80: {  	_ =	shalt  }
0x81: {  	_ =	shalt  }
0x82: {  	_ =	shalt  }
0x83: {  	_ =	shalt  }
0x84: {  	_ =	shalt  }
0x85: {  	_ =	shalt  }
0x86: {  	_ =	shalt  }
0x87: {  	_ =	shalt  }
.Lfunc_end0:
.L_simem_size_0:
called_computation.1_lowered:
.L_overlay_start_0:
0x88: {  	s2 =	sld [smem:$0x3FD9]  }
0x89: {  	s3 =	sld [smem:$0x3FFE];
	_ =	sdelay $0x1  }
0x8a: {  	s1 =	srdreg.scid  }
0x8b: {  	s0 =	sand.u32 $0x1, s1  }
0x8c: {  	s16 =	sshll.u32 s0, $0xA;
	s2 =	sadd.s32 s3, s2  }
0x8d: {  	s2 =	sadd.s32 s2, s16  }
0x8e: {  	[smem:$0x3FB6] =	sst s2  }
0x8f: {  	_ = 	snop  }
0x90: {  	(tm) =	ssettm $0x1  }
0x91: {  	s17 =	sld [smem:$0x3FFB];
	_ =	sdelay $0x3  }
0x92: {  	_ =	strace s17  }
0x93: {  	s2 =	sld [smem:$0x3FFC];
	_ =	sdelay $0x3  }
0x94: {  	_ =	strace s2  }
0x95: {  	s2 =	sld [smem:$0x3FFD];
	_ =	sdelay $0x3  }
0x96: {  	_ =	strace s2  }
0x97: {  	_ =	strace $0x8FFFFFFF  }
0x98: {  	s18 =	sld [smem:$0x3FDB];
	_ =	sdelay $0x1  }
0x99: {  	s19 =	simm.s32 $_scs_section_size  }
0x9a: {  	s4 =	simm.s32 $_size__tile_overlayer_lowered;
	s5 =	simm.s32 $_tile_overlayer_lowered  }
0x9b: {  	s22 =	simm.s32 $0x1BFF;
	s21 =	sshll.u32 s5, $0x1;
	s2 =	sadd.s32 s19, s18  }
0x9c: {  	s6 =	simm.s32 $0x0;
	s20 =	sshll.u32 s4, $0x1;
	s4 =	sadd.s32 s21, s2  }
0x9d: {  	[timem:s6], [sflag:s22] =	dma.local [hbm:s4], s20  }
0x9e: {  	_ =	swait.ge [sflag:s22], s20  }
0x9f: {  	s3 =	ssub.s32 $0x0, s20;
	[sflag:s22] =	ssyncset.done $0x0  }
0xa0: {  	[sflag:s22] =	ssyncadd.s32 s3;
	_ =	sdelay $0x1  }
0xa1: {  	s23 =	simm.s32 $0x1B8B  }
0xa2: {  	_ =	swait.ge [sflag:s23], $0x1  }
0xa3: {  	[sflag:s23] =	ssyncset.done $0x0  }
0xa4: {  	s25 =	simm.s32 $0x1B8E;
	s24 =	sld [smem:$0x3FFE];
	[sflag:s23] =	ssyncadd.s32 $0xFFFFFFFF  }
0xa5: {  	s26 =	simm.s32 $execute0_lowered;
	[smem:$0x3FD2] =	sst s25  }
0xa6: {  	s4 =	sshll.u32 s26, $0x1;
	_ =	strace $0x80000046;
	[dreg:$0x1] =	wrdreg $0xFFFFFFFF  }
0xa7: {  	s28 =	simm.s32 $_size_execute0_lowered;
	s2 =	sadd.s32 s2, s4;
	[dreg:$0x0] =	wrdreg $0x0  }
0xa8: {  	s4 =	sshll.u32 s28, $0x1;
	[dreg:$0x2] =	wrdreg s2  }
0xa9: {  	[dreg:$0x3] =	wrdreg s4  }
0xaa: {  	[dreg:$0x4] =	wrdreg $0xC0  }
0xab: {  	_ =	task [dreg:s6], $0x5FFFF  }
0xac: {  	[dreg:$0x1] =	wrdreg $0xFFFFFFFF  }
0xad: {  	[dreg:$0x0] =	wrdreg $0x60  }
0xae: {  	[dreg:$0x2] =	wrdreg s24  }
0xaf: {  	[dreg:$0x3] =	wrdreg $0x64000  }
0xb0: {  	[dreg:$0x4] =	wrdreg $0xA  }
0xb1: {  	_ =	task.clear_ibuf [dreg:s6], $0x5FFFF;
	_ =	strace $0x90000046  }
0xb2: {  	s29 =	simm.s32 $0xA;
	_ =	strace $0x80000048  }
0xb3: {  	_ =	swait.ge [sflag:s29], $0x1  }
0xb4: {  	[sflag:s29] =	ssyncadd.s32 $0xFFFFFFFF  }
0xb5: {  	_ =	strace $0x90000048  }
0xb6: {  	_ =	sfence  }
0xb7: {  	s30 =	sld [smem:$0x0];
	_ =	sdelay $0x2  }
0xb8: {  	s31 =	sshll.u32 s1, $0xD;
	s1 =	sshrl.u32 s1, $0x2  }
0xb9: {  	s3 =	sand.u32 $0x4000, s31;
	s1 =	sadd.s32 s1, s30  }
0xba: {  	s0 =	sor.u32 s3, s0;
	s1 =	sshll.u32 s1, $0x11  }
0xbb: {  	s0 =	sor.u32 s1, s0  }
0xbc: {  	s0 =	sadd.s32 $0x8F2B, s0  }
0xbd: {  	[sflag:s0] =	ssyncadd.remote.s32 $0x1  }
0xbe: {  	_ =	sfence.sel $0xFFFF  }
0xbf: {  	[dreg:$0x0] =	wrdreg $0xFFFFFFFF;
	(pc) =	sbr.abs _section_cstart, $3  }
0xc0: {  	[dreg:$0x1] =	wrdreg $0xFFFFFFFF  }
0xc1: {  	_ =	task.clear_ibuf [dreg:s6], $0x2FFFF;
	_ =	strace $0x9FFFFFFF  }
0xc2: {  	(tm) =	ssettm $0x7FFFFFFF  }
0xc3: {  	_ =	shalt  }
tec
execute0_lowered:
.L_overlay_start_1:
0x0: {  	(tag) =	ssettag $0x1  }
0x1: {  	s6 =	rddreg [dreg:$0x0]  }
0x2: {  	s2 =	rddreg [dreg:$0x1]  }
0x3: {  	s0 =	srdreg.scid;
	s1 =	rddreg [dreg:$0x2];
	s3 =	simm.s32 $0x0  }
0x4: {  	s14 =	simm.s32 $0x280;
	s15 =	simm.s32 $0x1400;
	s5 =	sand.u32 $0x1, s0  }
0x5: {  	s16 =	simm.s32 $0x1;
	s0 =	stileid.u32;
	s4 =	smul.u32 $0xC8000, s5  }
0x6: {  	s17 =	simm.s32 $0xC80;
	s18 =	simm.s32 $0x500;
	s7 =	smul.u32 $0xC800, s0  }
0x7: {  	s19 =	simm.s32 $0xF00;
	s20 =	simm.s32 $0x780;
	s8 =	smul.u32 $0x1900, s0  }
0x8: {  	s21 =	simm.s32 $0x1180;
	s22 =	simm.s32 $0x0;
	s9 =	smul.u32 $0x19000, s0  }
0x9: {  	[smem:$0x7FF] =	sst s3;
	s10 =	smul.u32 $0x190000, s5;
	s5 =	ssub.s32 $0x2, s5  }
0xa: {  	_ =	strace $0x80000047;
	s31 =	sshll.u32 s0, $0x6;
	s29 =	sshrl.u32 s5, $0x1  }
0xb: {  	s7 =	sadd.s32 s4, s7;
	s4 =	sadd.s32 $0x4D200, s6;
	s12 =	sadd.s32 s8, s6  }
0xc: {  	s26 =	sadd.s32 s9, s10;
	s28 =	sshrl.u32 s9, $0x3;
	s30 =	ssub.s32 s5, s29  }
0xd: {  	s13 =	sadd.s32 s9, s2;
	s7 =	sshrl.u32 s7, $0x3;
	s8 =	sadd.s32 s28, s6  }
0xe: {  	s10 =	sadd.s32 $0x2200, s12;
	s12 =	simm.s32 $0x2;
	s11 =	sadd.s32 s7, s6  }
0xf: {  	s7 =	sshrl.u32 s26, $0x3;
	s5 =	sadd.s32 $0xB1200, s8;
	s8 =	smax.u32 s30, $0x1  }
0x10: {  	s7 =	sadd.s32 s7, s6;
	s6 =	sor.u32 $0x1C02, s31;
	s9 =	sadd.s32 $0x1B200, s11  }
0x11: {  	s11 =	sshrl.u32 s13, $0x3;
	s13 =	simm.s32 $0xA00;
	s7 =	sadd.s32 $0xE3200, s7  }
.LBB2_1:
0x12: {  	[spmem:s11], [sflag:s6] =	dma.local [hbm:s5], $0x3200  }
0x13: {  	_ =	swait.ge [sflag:s12], $0x3200  }
0x14: {  	[sflag:s12] =	ssyncset.done $0x0  }
0x15: {  	[sflag:s12] =	ssyncadd.s32 $0xFFFFCE00  }
0x16: {  	s23 =	sadd.s32 $0x0, s9;
	[bflag:$0x0] =	sbarrier.arrive $0xFFFF  }
0x17: {  	[tilespmem:s3], [sflag:$0x2] =	stream.linear.gather [hbm4b:s23+s3], $0xA00, $0x38;
	[tilespmem:$0x1F400] =	vst v63  }
0x18: {  	_ =	swait.ge [sflag:s12], $0xA00  }
0x19: {  	[sflag:s12] =	ssyncset.done $0x0  }
0x1a: {  	s31 =	sadd.s32 $0x0, s10;
	[sflag:s12] =	ssyncadd.s32 $0xFFFFF600  }
0x1b: {  	[tilespmem:s13], [sflag:$0x2] =	stream.linear.gather [hbm4b:s31+s3], $0xA00, $0x38;
	[tilespmem:$0x1F400] =	vst v63  }
0x1c: {  	_ =	swait.ge [sflag:s12], $0xA00  }
0x1d: {  	[sflag:s12] =	ssyncset.done $0x0  }
0x1e: {  	[sflag:s12] =	ssyncadd.s32 $0xFFFFF600  }
0x1f: {  	[tilespmem:s15], [sflag:$0x1] =	stream.indirect.gather [hbm4b:s4+s14], $0x20, s3, s14, $0xb8;
	[tilespmem:$0x1F400] =	vst v63  }
0x20: {  	_ =	swait.ge [sflag:s16], $0x5000  }
0x21: {  	[sflag:s16] =	ssyncset.done $0x0  }
0x22: {  	[sflag:s16] =	ssyncadd.s32 $0xFFFFB000  }
0x23: {  	[spmem:s2] =	stream.indirect.scatter.add.f32 [tilespmem:s15], [sflag:$0x2], $0x20, s13, s14, $0xb8;
	[tilespmem:$0x1F400] =	vst v63  }
0x24: {  	_ =	swait.ge [sflag:s12], $0x5000  }
0x25: {  	[sflag:s12] =	ssyncset.done $0x0  }
0x26: {  	[sflag:s12] =	ssyncadd.s32 $0xFFFFB000  }
0x27: {  	[tilespmem:s15], [sflag:$0x1] =	stream.indirect.gather [hbm4b:s4+s14], $0x20, s14, s14, $0xb8;
	[tilespmem:$0x1F400] =	vst v63  }
0x28: {  	_ =	swait.ge [sflag:s16], $0x5000  }
0x29: {  	[sflag:s16] =	ssyncset.done $0x0  }
0x2a: {  	[sflag:s16] =	ssyncadd.s32 $0xFFFFB000  }
0x2b: {  	[spmem:s2] =	stream.indirect.scatter.add.f32 [tilespmem:s15], [sflag:$0x2], $0x20, s17, s14, $0xb8;
	[tilespmem:$0x1F400] =	vst v63  }
0x2c: {  	_ =	swait.ge [sflag:s12], $0x5000  }
0x2d: {  	[sflag:s12] =	ssyncset.done $0x0  }
0x2e: {  	[sflag:s12] =	ssyncadd.s32 $0xFFFFB000  }
0x2f: {  	[tilespmem:s15], [sflag:$0x1] =	stream.indirect.gather [hbm4b:s4+s14], $0x20, s18, s14, $0xb8;
	[tilespmem:$0x1F400] =	vst v63  }
0x30: {  	_ =	swait.ge [sflag:s16], $0x5000  }
0x31: {  	[sflag:s16] =	ssyncset.done $0x0  }
0x32: {  	[sflag:s16] =	ssyncadd.s32 $0xFFFFB000  }
0x33: {  	[spmem:s2] =	stream.indirect.scatter.add.f32 [tilespmem:s15], [sflag:$0x2], $0x20, s19, s14, $0xb8;
	[tilespmem:$0x1F400] =	vst v63  }
0x34: {  	_ =	swait.ge [sflag:s12], $0x5000  }
0x35: {  	[sflag:s12] =	ssyncset.done $0x0  }
0x36: {  	[sflag:s12] =	ssyncadd.s32 $0xFFFFB000  }
0x37: {  	[tilespmem:s15], [sflag:$0x1] =	stream.indirect.gather [hbm4b:s4+s14], $0x20, s20, s14, $0xb8;
	[tilespmem:$0x1F400] =	vst v63  }
0x38: {  	_ =	swait.ge [sflag:s16], $0x5000  }
0x39: {  	[sflag:s16] =	ssyncset.done $0x0  }
0x3a: {  	[sflag:s16] =	ssyncadd.s32 $0xFFFFB000  }
0x3b: {  	[spmem:s2] =	stream.indirect.scatter.add.f32 [tilespmem:s15], [sflag:$0x2], $0x20, s21, s14, $0xb8;
	[tilespmem:$0x1F400] =	vst v63  }
0x3c: {  	_ =	swait.ge [sflag:s12], $0x5000  }
0x3d: {  	s25 =	simm.s32 $0x280;
	s23 =	simm.s32 $0x140;
	[sflag:s12] =	ssyncset.done $0x0  }
.LBB2_2:
0x3e: {  	s26 =	sadd.s32 s23, s9  }
0x3f: {  	[sflag:s12] =	ssyncadd.s32 $0xFFFFB000;
	s28 =	smov.u32 s25;
	s24 =	sadd.s32 $0x140, s25  }
0x40: {  	[tilespmem:s3], [sflag:$0x2] =	stream.linear.gather [hbm4b:s26+s3], $0xA00, $0x38;
	[tilespmem:$0x1F400] =	vst v63  }
0x41: {  	p0 =	sne.s32 s25, $0x17C0;
	_ =	swait.ge [sflag:s12], $0xA00  }
0x42: {  	[sflag:s12] =	ssyncset.done $0x0  }
0x43: {  	s25 =	sadd.s32 s23, s10;
	s23 =	smov.u32 s28;
	[sflag:s12] =	ssyncadd.s32 $0xFFFFF600  }
0x44: {  	[tilespmem:s13], [sflag:$0x2] =	stream.linear.gather [hbm4b:s25+s3], $0xA00, $0x38;
	[tilespmem:$0x1F400] =	vst v63  }
0x45: {  	_ =	swait.ge [sflag:s12], $0xA00  }
0x46: {  	[sflag:s12] =	ssyncset.done $0x0  }
0x47: {  	[sflag:s12] =	ssyncadd.s32 $0xFFFFF600  }
0x48: {  	[tilespmem:s15], [sflag:$0x1] =	stream.indirect.gather [hbm4b:s4+s14], $0x20, s3, s14, $0xb8;
	[tilespmem:$0x1F400] =	vst v63  }
0x49: {  	_ =	swait.ge [sflag:s16], $0x5000  }
0x4a: {  	[sflag:s16] =	ssyncset.done $0x0  }
0x4b: {  	[sflag:s16] =	ssyncadd.s32 $0xFFFFB000  }
0x4c: {  	[spmem:s2] =	stream.indirect.scatter.add.f32 [tilespmem:s15], [sflag:$0x2], $0x20, s13, s14, $0xb8;
	[tilespmem:$0x1F400] =	vst v63  }
0x4d: {  	_ =	swait.ge [sflag:s12], $0x5000  }
0x4e: {  	[sflag:s12] =	ssyncset.done $0x0  }
0x4f: {  	[sflag:s12] =	ssyncadd.s32 $0xFFFFB000  }
0x50: {  	[tilespmem:s15], [sflag:$0x1] =	stream.indirect.gather [hbm4b:s4+s14], $0x20, s14, s14, $0xb8;
	[tilespmem:$0x1F400] =	vst v63  }
0x51: {  	_ =	swait.ge [sflag:s16], $0x5000  }
0x52: {  	[sflag:s16] =	ssyncset.done $0x0  }
0x53: {  	[sflag:s16] =	ssyncadd.s32 $0xFFFFB000  }
0x54: {  	[spmem:s2] =	stream.indirect.scatter.add.f32 [tilespmem:s15], [sflag:$0x2], $0x20, s17, s14, $0xb8;
	[tilespmem:$0x1F400] =	vst v63  }
0x55: {  	_ =	swait.ge [sflag:s12], $0x5000  }
0x56: {  	[sflag:s12] =	ssyncset.done $0x0  }
0x57: {  	[sflag:s12] =	ssyncadd.s32 $0xFFFFB000  }
0x58: {  	[tilespmem:s15], [sflag:$0x1] =	stream.indirect.gather [hbm4b:s4+s14], $0x20, s18, s14, $0xb8;
	[tilespmem:$0x1F400] =	vst v63  }
0x59: {  	_ =	swait.ge [sflag:s16], $0x5000  }
0x5a: {  	[sflag:s16] =	ssyncset.done $0x0  }
0x5b: {  	[sflag:s16] =	ssyncadd.s32 $0xFFFFB000  }
0x5c: {  	[spmem:s2] =	stream.indirect.scatter.add.f32 [tilespmem:s15], [sflag:$0x2], $0x20, s19, s14, $0xb8;
	[tilespmem:$0x1F400] =	vst v63  }
0x5d: {  	_ =	swait.ge [sflag:s12], $0x5000  }
0x5e: {  	[sflag:s12] =	ssyncset.done $0x0  }
0x5f: {  	[sflag:s12] =	ssyncadd.s32 $0xFFFFB000  }
0x60: {  	[tilespmem:s15], [sflag:$0x1] =	stream.indirect.gather [hbm4b:s4+s14], $0x20, s20, s14, $0xb8;
	[tilespmem:$0x1F400] =	vst v63  }
0x61: {  	_ =	swait.ge [sflag:s16], $0x5000  }
.Ltmp0:
0x62: {  	[sflag:s16] =	ssyncset.done $0x0;
	(pc) =	sbr.rel @p0 .LBB2_2-.Ltmp0, $4  }
0x63: {  	[sflag:s16] =	ssyncadd.s32 $0xFFFFB000  }
0x64: {  	[spmem:s2] =	stream.indirect.scatter.add.f32 [tilespmem:s15], [sflag:$0x2], $0x20, s21, s14, $0xb8;
	[tilespmem:$0x1F400] =	vst v63  }
0x65: {  	_ =	swait.ge [sflag:s12], $0x5000  }
0x66: {  	s25 =	smov.u32 s24;
	[sflag:s12] =	ssyncset.done $0x0  }
0x67: {  	s24 =	sadd.s32 s23, s9;
	[sflag:s12] =	ssyncadd.s32 $0xFFFFB000  }
0x68: {  	[tilespmem:s3], [sflag:$0x2] =	stream.linear.gather [hbm4b:s24+s3], $0xA00, $0x38;
	[tilespmem:$0x1F400] =	vst v63  }
0x69: {  	_ =	swait.ge [sflag:s12], $0xA00  }
0x6a: {  	[sflag:s12] =	ssyncset.done $0x0  }
0x6b: {  	s31 =	sadd.s32 s23, s10;
	[sflag:s12] =	ssyncadd.s32 $0xFFFFF600  }
0x6c: {  	[tilespmem:s13], [sflag:$0x2] =	stream.linear.gather [hbm4b:s31+s3], $0xA00, $0x38;
	[tilespmem:$0x1F400] =	vst v63  }
0x6d: {  	_ =	swait.ge [sflag:s12], $0xA00  }
0x6e: {  	[sflag:s12] =	ssyncset.done $0x0  }
0x6f: {  	[sflag:s12] =	ssyncadd.s32 $0xFFFFF600  }
0x70: {  	[tilespmem:s15], [sflag:$0x1] =	stream.indirect.gather [hbm4b:s4+s14], $0x20, s3, s14, $0xb8;
	[tilespmem:$0x1F400] =	vst v63  }
0x71: {  	_ =	swait.ge [sflag:s16], $0x5000  }
0x72: {  	[sflag:s16] =	ssyncset.done $0x0  }
0x73: {  	[sflag:s16] =	ssyncadd.s32 $0xFFFFB000  }
0x74: {  	[spmem:s2] =	stream.indirect.scatter.add.f32 [tilespmem:s15], [sflag:$0x2], $0x20, s13, s14, $0xb8;
	[tilespmem:$0x1F400] =	vst v63  }
0x75: {  	_ =	swait.ge [sflag:s12], $0x5000  }
0x76: {  	[sflag:s12] =	ssyncset.done $0x0  }
0x77: {  	[sflag:s12] =	ssyncadd.s32 $0xFFFFB000  }
0x78: {  	[tilespmem:s15], [sflag:$0x1] =	stream.indirect.gather [hbm4b:s4+s14], $0x20, s14, s14, $0xb8;
	[tilespmem:$0x1F400] =	vst v63  }
0x79: {  	_ =	swait.ge [sflag:s16], $0x5000  }
0x7a: {  	[sflag:s16] =	ssyncset.done $0x0  }
0x7b: {  	[sflag:s16] =	ssyncadd.s32 $0xFFFFB000  }
0x7c: {  	[spmem:s2] =	stream.indirect.scatter.add.f32 [tilespmem:s15], [sflag:$0x2], $0x20, s17, s14, $0xb8;
	[tilespmem:$0x1F400] =	vst v63  }
0x7d: {  	_ =	swait.ge [sflag:s12], $0x5000  }
0x7e: {  	[sflag:s12] =	ssyncset.done $0x0  }
0x7f: {  	[sflag:s12] =	ssyncadd.s32 $0xFFFFB000  }
0x80: {  	[tilespmem:s15], [sflag:$0x1] =	stream.indirect.gather [hbm4b:s4+s14], $0x20, s18, s14, $0xb8;
	[tilespmem:$0x1F400] =	vst v63  }
0x81: {  	_ =	swait.ge [sflag:s16], $0x5000  }
0x82: {  	[sflag:s16] =	ssyncset.done $0x0  }
0x83: {  	[sflag:s16] =	ssyncadd.s32 $0xFFFFB000  }
0x84: {  	[spmem:s2] =	stream.indirect.scatter.add.f32 [tilespmem:s15], [sflag:$0x2], $0x20, s19, s14, $0xb8;
	[tilespmem:$0x1F400] =	vst v63  }
0x85: {  	_ =	swait.ge [sflag:s12], $0x5000  }
0x86: {  	[sflag:s12] =	ssyncset.done $0x0  }
0x87: {  	[sflag:s12] =	ssyncadd.s32 $0xFFFFB000  }
0x88: {  	[tilespmem:s15], [sflag:$0x1] =	stream.indirect.gather [hbm4b:s4+s14], $0x20, s20, s14, $0xb8;
	[tilespmem:$0x1F400] =	vst v63  }
0x89: {  	_ =	swait.ge [sflag:s16], $0x5000  }
0x8a: {  	[sflag:s16] =	ssyncset.done $0x0  }
0x8b: {  	[sflag:s16] =	ssyncadd.s32 $0xFFFFB000  }
0x8c: {  	[spmem:s2] =	stream.indirect.scatter.add.f32 [tilespmem:s15], [sflag:$0x2], $0x20, s21, s14, $0xb8;
	[tilespmem:$0x1F400] =	vst v63  }
0x8d: {  	_ =	swait.ge [sflag:s12], $0x5000  }
0x8e: {  	s22 =	sadd.s32 $0x1, s22;
	[sflag:s12] =	ssyncset.done $0x0  }
0x8f: {  	p0 =	sne.s32 s22, s8;
	[sflag:s12] =	ssyncadd.s32 $0xFFFFB000  }
.Ltmp1:
0x90: {  	[bflag:$0x0] =	sbarrier.arrive $0xFFFF;
	(pc) =	sbr.rel @p0 .LBB2_1-.Ltmp1, $4  }
0x91: {  	[hbm:s7], [sflag:s6] =	dma.local [spmem:s11], $0x3200  }
0x92: {  	_ =	swait.ge [sflag:s12], $0x3200  }
0x93: {  	[sflag:s12] =	ssyncset.done $0x0  }
0x94: {  	[sflag:s12] =	ssyncadd.s32 $0xFFFFCE00  }
0x95: {  	_ =	sfence.sel $0x180000  }
0x96: {  	[bflag:$0x0] =	sbarrier.arrive $0xFFFF  }
0x97: {  	p0 =	sne.s32 s0, $0x0;
	_ =	strace $0x90000047  }
0x98: {  	s0 =	sadd.s32 @!p0 $0x100000, s1;
	[bflag:$0x2] =	sbarrier.arrive $0xFFFF  }
0x99: {  	[sflag:s0] =	ssyncadd.tile.s32 @!p0 $0x1;
	_ =	shalt  }
.Lfunc_end2:
_tile_overlayer_lowered:
.L_overlay_start_2:
0x9a: {  	(tag) =	ssettag $0x2  }
0x9b: {  	s0 =	rddreg [dreg:$0x0];
	s2 =	stileid.u32  }
0x9c: {  	s1 =	rddreg [dreg:$0x1];
	p0 =	sne.s32 s2, $0x0  }
0x9d: {  	s3 =	rddreg [dreg:$0x2];
	[bflag:$0x3] =	sbarrier.arrive $0xFFFF;
	s2 =	simm.s32 @!p0 $0x1C02  }
0x9e: {  	[timem:s3], [sflag:s2] =	dma.local @!p0 [hbm:s0], s1  }
0x9f: {  	s0 =	simm.s32 @!p0 $0x2  }
0xa0: {  	_ =	swait.ge @!p0 [sflag:s0], s1  }
0xa1: {  	s1 =	ssub.s32 @!p0 $0x0, s1;
	[sflag:s0] =	ssyncset.done @!p0 $0x0  }
0xa2: {  	[sflag:s0] =	ssyncadd.s32 @!p0 s1  }
0xa3: {  	[bflag:$0x3] =	sbarrier.arrive $0xFFFF  }
0xa4: {  	_ =	shalt  }

// kernel: kernel.14.cloned.1.call-start
scs
__scs_entry_jumppad:
0x0: {  	(pc) =	sbr.rel $0x88, $3  }
0x1: {  	(tag) =	ssettag $0x0;
	lr =	simm.s32 $0x1  }
0x2: {  	[smem:$0x3F8F] =	sst lr;
	_ =	strace $0xD0000000  }
0x3: {  	_ = 	snop  }
0x4: {  	_ = 	snop  }
0x5: {  	_ = 	snop  }
0x6: {  	_ = 	snop  }
0x7: {  	_ = 	snop  }
__scs_overlays_trampoline_lowered:
0x8: {  	[smem:$0x3F9E] =	sst s0  }
0x9: {  	[smem:$0x3F9F] =	sst s1  }
0xa: {  	[smem:$0x3FA0] =	sst s2  }
0xb: {  	[smem:$0x3FA1] =	sst s3  }
0xc: {  	[smem:$0x3FA2] =	sst s4  }
0xd: {  	[smem:$0x3FA3] =	sst s5  }
0xe: {  	[smem:$0x3FA4] =	sst s6  }
0xf: {  	[smem:$0x3FA5] =	sst s7  }
0x10: {  	[smem:$0x3FA6] =	sst s8  }
0x11: {  	[smem:$0x3FA7] =	sst s9;
	s0 =	simm.s32 @!p0 $0x0  }
0x12: {  	s1 =	sld [smem:$0x3F8D];
	s0 =	simm.s32 @p0 $0x1  }
0x13: {  	[smem:$0x3FA8] =	sst s0;
	s0 =	simm.s32 @!p1 $0x0  }
0x14: {  	s2 =	sld [smem:$0x3F8C];
	s0 =	simm.s32 @p1 $0x1  }
0x15: {  	[smem:$0x3FA9] =	sst s0;
	s0 =	simm.s32 @!p2 $0x0  }
0x16: {  	s3 =	sld [smem:$0x3FDB];
	s0 =	simm.s32 @p2 $0x1  }
0x17: {  	s4 =	simm.s32 $0x1BF5;
	[smem:$0x3FAB] =	sst s0  }
0x18: {  	s0 =	sld [smem:$0x3F8E];
	_ =	swait.ge [sflag:s4], $0x0  }
0x19: {  	s7 =	sld [smem:$0x3F8F]  }
0x1a: {  	s8 =	sadd.s32 $0xFFFFE003, lr  }
0x1b: {  	s9 =	sadd.s32 $0xFFFFFEF7, lr;
	s5 =	simm.s32 $0xFFFFFFFF;
	p2 =	slt.u32 s8, $0xFFFFF086  }
0x1c: {  	p1 =	slt.u32 s9, $0xF7A;
	s5 =	simm.s32 @!p2 $0x0  }
0x1d: {  	s5 =	simm.s32 @p1 $0x1;
	p0 =	seq.s32 s7, s2  }
0x1e: {  	s7 =	smul.u32 @!p0 $0xF7A, s2;
	p2 =	seq.s32 @!p0 s5, $0x0  }
0x1f: {  	s9 =	smul.u32 $0xF7A, s1;
	s8 =	simm.s32 @!p0 $0x1BF5;
	p2 =	por !p2, p0  }
0x20: {  	[sflag:s8] =	ssyncset.s32 @!p0 $0xFFFFF086;
	s6 =	sadd.s32 @!p0 s3, s7;
	s7 =	simm.s32 @!p0 $0x108  }
0x21: {  	s3 =	sadd.s32 s3, s9;
	s6 =	sadd.s32 @!p0 $0x88, s6;
	s7 =	simm.s32 @p2 $0x1082  }
0x22: {  	[simem:s7], [sflag:s8] =	dma.local @!p0 [hbm:s6], $0xF7A  }
0x23: {  	s9 =	sor.u32 $0xD0000000, s2;
	s6 =	simm.s32 $0x108;
	_ =	swait.ge @!p0 [sflag:s8], $0x0  }
0x24: {  	s3 =	sadd.s32 $0x88, s3;
	s6 =	simm.s32 @!p1 $0x1082;
	[sflag:s4] =	ssyncset.s32 $0xFFFFF086  }
0x25: {  	[simem:s6], [sflag:s4] =	dma.local [hbm:s3], $0xF7A  }
0x26: {  	[smem:$0x3F8F] =	sst s1;
	(tag) =	ssettag s2;
	_ =	strace s9  }
0x27: {  	s1 =	sld [smem:$0x3F9F]  }
0x28: {  	s2 =	sld [smem:$0x3FA0]  }
0x29: {  	s4 =	sld [smem:$0x3FA2]  }
0x2a: {  	p0 =	seq.s32 s5, $0x0;
	s5 =	sld [smem:$0x3FA3]  }
0x2b: {  	s6 =	sld [smem:$0x3FA4]  }
0x2c: {  	s7 =	sld [smem:$0x3FA5]  }
0x2d: {  	s3 =	simm.s32 $0x108;
	s8 =	sld [smem:$0x3FA6]  }
0x2e: {  	s3 =	simm.s32 @!p0 $0x1082;
	s9 =	sld [smem:$0x3FA7]  }
0x2f: {  	lr =	sadd.s32 s0, s3;
	s0 =	sld [smem:$0x3F9E]  }
0x30: {  	s3 =	sld [smem:$0x3FA1]  }
0x31: {  	[smem:$0x3FAA] =	sst s10  }
0x32: {  	s10 =	sld [smem:$0x3FA8];
	_ =	sdelay $0x3  }
0x33: {  	p0 =	seq.s32 s10, $0x1;
	s10 =	sld [smem:$0x3FAA];
	_ =	sdelay $0x3  }
0x34: {  	[smem:$0x3FAA] =	sst s10  }
0x35: {  	s10 =	sld [smem:$0x3FA9];
	_ =	sdelay $0x3  }
0x36: {  	p1 =	seq.s32 s10, $0x1;
	s10 =	sld [smem:$0x3FAA];
	_ =	sdelay $0x3  }
0x37: {  	[smem:$0x3FAA] =	sst s10  }
0x38: {  	s10 =	sld [smem:$0x3FAB]  }
0x39: {  	_ = 	snop;
	(pc) =	sbr.ind lr, $3  }
0x3a: {  	_ = 	snop  }
0x3b: {  	_ = 	snop  }
0x3c: {  	p2 =	seq.s32 s10, $0x1;
	s10 =	sld [smem:$0x3FAA]  }
0x3d: {  	_ =	shalt  }
0x3e: {  	_ =	shalt  }
0x3f: {  	_ =	shalt  }
0x40: {  	_ =	shalt  }
0x41: {  	_ =	shalt  }
0x42: {  	_ =	shalt  }
0x43: {  	_ =	shalt  }
0x44: {  	_ =	shalt  }
0x45: {  	_ =	shalt  }
0x46: {  	_ =	shalt  }
0x47: {  	_ =	shalt  }
0x48: {  	_ =	shalt  }
0x49: {  	_ =	shalt  }
0x4a: {  	_ =	shalt  }
0x4b: {  	_ =	shalt  }
0x4c: {  	_ =	shalt  }
0x4d: {  	_ =	shalt  }
0x4e: {  	_ =	shalt  }
0x4f: {  	_ =	shalt  }
0x50: {  	_ =	shalt  }
0x51: {  	_ =	shalt  }
0x52: {  	_ =	shalt  }
0x53: {  	_ =	shalt  }
0x54: {  	_ =	shalt  }
0x55: {  	_ =	shalt  }
0x56: {  	_ =	shalt  }
0x57: {  	_ =	shalt  }
0x58: {  	_ =	shalt  }
0x59: {  	_ =	shalt  }
0x5a: {  	_ =	shalt  }
0x5b: {  	_ =	shalt  }
0x5c: {  	_ =	shalt  }
0x5d: {  	_ =	shalt  }
0x5e: {  	_ =	shalt  }
0x5f: {  	_ =	shalt  }
0x60: {  	_ =	shalt  }
0x61: {  	_ =	shalt  }
0x62: {  	_ =	shalt  }
0x63: {  	_ =	shalt  }
0x64: {  	_ =	shalt  }
0x65: {  	_ =	shalt  }
0x66: {  	_ =	shalt  }
0x67: {  	_ =	shalt  }
0x68: {  	_ =	shalt  }
0x69: {  	_ =	shalt  }
0x6a: {  	_ =	shalt  }
0x6b: {  	_ =	shalt  }
0x6c: {  	_ =	shalt  }
0x6d: {  	_ =	shalt  }
0x6e: {  	_ =	shalt  }
0x6f: {  	_ =	shalt  }
0x70: {  	_ =	shalt  }
0x71: {  	_ =	shalt  }
0x72: {  	_ =	shalt  }
0x73: {  	_ =	shalt  }
0x74: {  	_ =	shalt  }
0x75: {  	_ =	shalt  }
0x76: {  	_ =	shalt  }
0x77: {  	_ =	shalt  }
0x78: {  	_ =	shalt  }
0x79: {  	_ =	shalt  }
0x7a: {  	_ =	shalt  }
0x7b: {  	_ =	shalt  }
0x7c: {  	_ =	shalt  }
0x7d: {  	_ =	shalt  }
0x7e: {  	_ =	shalt  }
0x7f: {  	_ =	shalt  }
0x80: {  	_ =	shalt  }
0x81: {  	_ =	shalt  }
0x82: {  	_ =	shalt  }
0x83: {  	_ =	shalt  }
0x84: {  	_ =	shalt  }
0x85: {  	_ =	shalt  }
0x86: {  	_ =	shalt  }
0x87: {  	_ =	shalt  }
.Lfunc_end0:
.L_simem_size_0:
called_computation.2_lowered:
.L_overlay_start_0:
0x88: {  	s2 =	sld [smem:$0x3FD9]  }
0x89: {  	s3 =	sld [smem:$0x3FFE];
	_ =	sdelay $0x1  }
0x8a: {  	s1 =	srdreg.scid  }
0x8b: {  	s0 =	sand.u32 $0x1, s1  }
0x8c: {  	s16 =	sshll.u32 s0, $0xA;
	s2 =	sadd.s32 s3, s2  }
0x8d: {  	s2 =	sadd.s32 s2, s16  }
0x8e: {  	[smem:$0x3FB6] =	sst s2  }
0x8f: {  	_ = 	snop  }
0x90: {  	(tm) =	ssettm $0x1  }
0x91: {  	s17 =	sld [smem:$0x3FFB];
	_ =	sdelay $0x3  }
0x92: {  	_ =	strace s17  }
0x93: {  	s2 =	sld [smem:$0x3FFC];
	_ =	sdelay $0x3  }
0x94: {  	_ =	strace s2  }
0x95: {  	s2 =	sld [smem:$0x3FFD];
	_ =	sdelay $0x3  }
0x96: {  	_ =	strace s2  }
0x97: {  	_ =	strace $0x8FFFFFFF  }
0x98: {  	s18 =	sld [smem:$0x3FDB];
	_ =	sdelay $0x1  }
0x99: {  	s19 =	simm.s32 $_scs_section_size  }
0x9a: {  	s4 =	simm.s32 $_size__tile_overlayer_lowered;
	s5 =	simm.s32 $_tile_overlayer_lowered  }
0x9b: {  	s22 =	simm.s32 $0x1BFF;
	s21 =	sshll.u32 s5, $0x1;
	s2 =	sadd.s32 s19, s18  }
0x9c: {  	s6 =	simm.s32 $0x0;
	s20 =	sshll.u32 s4, $0x1;
	s4 =	sadd.s32 s21, s2  }
0x9d: {  	[timem:s6], [sflag:s22] =	dma.local [hbm:s4], s20  }
0x9e: {  	_ =	swait.ge [sflag:s22], s20  }
0x9f: {  	s3 =	ssub.s32 $0x0, s20;
	[sflag:s22] =	ssyncset.done $0x0  }
0xa0: {  	[sflag:s22] =	ssyncadd.s32 s3;
	_ =	sdelay $0x1  }
0xa1: {  	s23 =	simm.s32 $0x1B8B  }
0xa2: {  	_ =	swait.ge [sflag:s23], $0x1  }
0xa3: {  	[sflag:s23] =	ssyncset.done $0x0  }
0xa4: {  	s25 =	simm.s32 $0x1B8E;
	s24 =	sld [smem:$0x3FFE];
	[sflag:s23] =	ssyncadd.s32 $0xFFFFFFFF  }
0xa5: {  	s26 =	simm.s32 $execute0_lowered;
	[smem:$0x3FD2] =	sst s25  }
0xa6: {  	s4 =	sshll.u32 s26, $0x1;
	_ =	strace $0x8000004C;
	[dreg:$0x1] =	wrdreg $0xFFFFFFFF  }
0xa7: {  	s28 =	simm.s32 $_size_execute0_lowered;
	s2 =	sadd.s32 s2, s4;
	[dreg:$0x0] =	wrdreg $0x0  }
0xa8: {  	s4 =	sshll.u32 s28, $0x1;
	[dreg:$0x2] =	wrdreg s2  }
0xa9: {  	[dreg:$0x3] =	wrdreg s4  }
0xaa: {  	[dreg:$0x4] =	wrdreg $0xC0  }
0xab: {  	_ =	task [dreg:s6], $0x5FFFF  }
0xac: {  	[dreg:$0x1] =	wrdreg $0xFFFFFFFF  }
0xad: {  	[dreg:$0x0] =	wrdreg $0x60  }
0xae: {  	[dreg:$0x2] =	wrdreg s24  }
0xaf: {  	[dreg:$0x3] =	wrdreg $0x64000  }
0xb0: {  	[dreg:$0x4] =	wrdreg $0x9  }
0xb1: {  	_ =	task.clear_ibuf [dreg:s6], $0x5FFFF;
	_ =	strace $0x9000004C  }
0xb2: {  	s29 =	simm.s32 $0x9;
	_ =	strace $0x8000004E  }
0xb3: {  	_ =	swait.ge [sflag:s29], $0x1  }
0xb4: {  	[sflag:s29] =	ssyncadd.s32 $0xFFFFFFFF  }
0xb5: {  	_ =	strace $0x9000004E  }
0xb6: {  	_ =	sfence  }
0xb7: {  	s30 =	sld [smem:$0x0];
	_ =	sdelay $0x2  }
0xb8: {  	s31 =	sshll.u32 s1, $0xD;
	s1 =	sshrl.u32 s1, $0x2  }
0xb9: {  	s3 =	sand.u32 $0x4000, s31;
	s1 =	sadd.s32 s1, s30  }
0xba: {  	s0 =	sor.u32 s3, s0;
	s1 =	sshll.u32 s1, $0x11  }
0xbb: {  	s0 =	sor.u32 s1, s0  }
0xbc: {  	s0 =	sadd.s32 $0x8F2B, s0  }
0xbd: {  	[sflag:s0] =	ssyncadd.remote.s32 $0x1  }
0xbe: {  	_ =	sfence.sel $0xFFFF  }
0xbf: {  	[dreg:$0x0] =	wrdreg $0xFFFFFFFF;
	(pc) =	sbr.abs _section_cstart, $3  }
0xc0: {  	[dreg:$0x1] =	wrdreg $0xFFFFFFFF  }
0xc1: {  	_ =	task.clear_ibuf [dreg:s6], $0x2FFFF;
	_ =	strace $0x9FFFFFFF  }
0xc2: {  	(tm) =	ssettm $0x7FFFFFFF  }
0xc3: {  	_ =	shalt  }
tec
execute0_lowered:
.L_overlay_start_1:
0x0: {  	(tag) =	ssettag $0x1  }
0x1: {  	s6 =	rddreg [dreg:$0x0]  }
0x2: {  	s2 =	rddreg [dreg:$0x1]  }
0x3: {  	s0 =	srdreg.scid;
	s1 =	rddreg [dreg:$0x2];
	s3 =	simm.s32 $0x0  }
0x4: {  	s14 =	simm.s32 $0x280;
	s15 =	simm.s32 $0x1400;
	s5 =	sand.u32 $0x1, s0  }
0x5: {  	s16 =	simm.s32 $0x1;
	s0 =	stileid.u32;
	s4 =	smul.u32 $0xC8000, s5  }
0x6: {  	s17 =	simm.s32 $0xC80;
	s18 =	simm.s32 $0x500;
	s7 =	smul.u32 $0xC800, s0  }
0x7: {  	s19 =	simm.s32 $0xF00;
	s20 =	simm.s32 $0x780;
	s8 =	smul.u32 $0x1900, s0  }
0x8: {  	s21 =	simm.s32 $0x1180;
	s22 =	simm.s32 $0x0;
	s9 =	smul.u32 $0x19000, s0  }
0x9: {  	[smem:$0x7FF] =	sst s3;
	s10 =	smul.u32 $0x190000, s5;
	s5 =	ssub.s32 $0x2, s5  }
0xa: {  	_ =	strace $0x8000004D;
	s31 =	sshll.u32 s0, $0x6;
	s29 =	sshrl.u32 s5, $0x1  }
0xb: {  	s7 =	sadd.s32 s4, s7;
	s4 =	sadd.s32 $0x4D200, s6;
	s12 =	sadd.s32 s8, s6  }
0xc: {  	s26 =	sadd.s32 s9, s10;
	s28 =	sshrl.u32 s9, $0x3;
	s30 =	ssub.s32 s5, s29  }
0xd: {  	s13 =	sadd.s32 s9, s2;
	s7 =	sshrl.u32 s7, $0x3;
	s8 =	sadd.s32 s28, s6  }
0xe: {  	s10 =	sadd.s32 $0x2200, s12;
	s12 =	simm.s32 $0x2;
	s11 =	sadd.s32 s7, s6  }
0xf: {  	s7 =	sshrl.u32 s26, $0x3;
	s5 =	sadd.s32 $0xB1200, s8;
	s8 =	smax.u32 s30, $0x1  }
0x10: {  	s7 =	sadd.s32 s7, s6;
	s6 =	sor.u32 $0x1C02, s31;
	s9 =	sadd.s32 $0x1B200, s11  }
0x11: {  	s11 =	sshrl.u32 s13, $0x3;
	s13 =	simm.s32 $0xA00;
	s7 =	sadd.s32 $0xE3200, s7  }
.LBB2_1:
0x12: {  	[spmem:s11], [sflag:s6] =	dma.local [hbm:s5], $0x3200  }
0x13: {  	_ =	swait.ge [sflag:s12], $0x3200  }
0x14: {  	[sflag:s12] =	ssyncset.done $0x0  }
0x15: {  	[sflag:s12] =	ssyncadd.s32 $0xFFFFCE00  }
0x16: {  	s23 =	sadd.s32 $0x0, s9;
	[bflag:$0x0] =	sbarrier.arrive $0xFFFF  }
0x17: {  	[tilespmem:s3], [sflag:$0x2] =	stream.linear.gather [hbm4b:s23+s3], $0xA00, $0x38;
	[tilespmem:$0x1F400] =	vst v63  }
0x18: {  	_ =	swait.ge [sflag:s12], $0xA00  }
0x19: {  	[sflag:s12] =	ssyncset.done $0x0  }
0x1a: {  	s31 =	sadd.s32 $0x0, s10;
	[sflag:s12] =	ssyncadd.s32 $0xFFFFF600  }
0x1b: {  	[tilespmem:s13], [sflag:$0x2] =	stream.linear.gather [hbm4b:s31+s3], $0xA00, $0x38;
	[tilespmem:$0x1F400] =	vst v63  }
0x1c: {  	_ =	swait.ge [sflag:s12], $0xA00  }
0x1d: {  	[sflag:s12] =	ssyncset.done $0x0  }
0x1e: {  	[sflag:s12] =	ssyncadd.s32 $0xFFFFF600  }
0x1f: {  	[tilespmem:s15], [sflag:$0x1] =	stream.indirect.gather [hbm4b:s4+s14], $0x20, s3, s14, $0xb8;
	[tilespmem:$0x1F400] =	vst v63  }
0x20: {  	_ =	swait.ge [sflag:s16], $0x5000  }
0x21: {  	[sflag:s16] =	ssyncset.done $0x0  }
0x22: {  	[sflag:s16] =	ssyncadd.s32 $0xFFFFB000  }
0x23: {  	[spmem:s2] =	stream.indirect.scatter.add.f32 [tilespmem:s15], [sflag:$0x2], $0x20, s13, s14, $0xb8;
	[tilespmem:$0x1F400] =	vst v63  }
0x24: {  	_ =	swait.ge [sflag:s12], $0x5000  }
0x25: {  	[sflag:s12] =	ssyncset.done $0x0  }
0x26: {  	[sflag:s12] =	ssyncadd.s32 $0xFFFFB000  }
0x27: {  	[tilespmem:s15], [sflag:$0x1] =	stream.indirect.gather [hbm4b:s4+s14], $0x20, s14, s14, $0xb8;
	[tilespmem:$0x1F400] =	vst v63  }
0x28: {  	_ =	swait.ge [sflag:s16], $0x5000  }
0x29: {  	[sflag:s16] =	ssyncset.done $0x0  }
0x2a: {  	[sflag:s16] =	ssyncadd.s32 $0xFFFFB000  }
0x2b: {  	[spmem:s2] =	stream.indirect.scatter.add.f32 [tilespmem:s15], [sflag:$0x2], $0x20, s17, s14, $0xb8;
	[tilespmem:$0x1F400] =	vst v63  }
0x2c: {  	_ =	swait.ge [sflag:s12], $0x5000  }
0x2d: {  	[sflag:s12] =	ssyncset.done $0x0  }
0x2e: {  	[sflag:s12] =	ssyncadd.s32 $0xFFFFB000  }
0x2f: {  	[tilespmem:s15], [sflag:$0x1] =	stream.indirect.gather [hbm4b:s4+s14], $0x20, s18, s14, $0xb8;
	[tilespmem:$0x1F400] =	vst v63  }
0x30: {  	_ =	swait.ge [sflag:s16], $0x5000  }
0x31: {  	[sflag:s16] =	ssyncset.done $0x0  }
0x32: {  	[sflag:s16] =	ssyncadd.s32 $0xFFFFB000  }
0x33: {  	[spmem:s2] =	stream.indirect.scatter.add.f32 [tilespmem:s15], [sflag:$0x2], $0x20, s19, s14, $0xb8;
	[tilespmem:$0x1F400] =	vst v63  }
0x34: {  	_ =	swait.ge [sflag:s12], $0x5000  }
0x35: {  	[sflag:s12] =	ssyncset.done $0x0  }
0x36: {  	[sflag:s12] =	ssyncadd.s32 $0xFFFFB000  }
0x37: {  	[tilespmem:s15], [sflag:$0x1] =	stream.indirect.gather [hbm4b:s4+s14], $0x20, s20, s14, $0xb8;
	[tilespmem:$0x1F400] =	vst v63  }
0x38: {  	_ =	swait.ge [sflag:s16], $0x5000  }
0x39: {  	[sflag:s16] =	ssyncset.done $0x0  }
0x3a: {  	[sflag:s16] =	ssyncadd.s32 $0xFFFFB000  }
0x3b: {  	[spmem:s2] =	stream.indirect.scatter.add.f32 [tilespmem:s15], [sflag:$0x2], $0x20, s21, s14, $0xb8;
	[tilespmem:$0x1F400] =	vst v63  }
0x3c: {  	_ =	swait.ge [sflag:s12], $0x5000  }
0x3d: {  	s25 =	simm.s32 $0x280;
	s23 =	simm.s32 $0x140;
	[sflag:s12] =	ssyncset.done $0x0  }
.LBB2_2:
0x3e: {  	s26 =	sadd.s32 s23, s9  }
0x3f: {  	[sflag:s12] =	ssyncadd.s32 $0xFFFFB000;
	s28 =	smov.u32 s25;
	s24 =	sadd.s32 $0x140, s25  }
0x40: {  	[tilespmem:s3], [sflag:$0x2] =	stream.linear.gather [hbm4b:s26+s3], $0xA00, $0x38;
	[tilespmem:$0x1F400] =	vst v63  }
0x41: {  	p0 =	sne.s32 s25, $0x17C0;
	_ =	swait.ge [sflag:s12], $0xA00  }
0x42: {  	[sflag:s12] =	ssyncset.done $0x0  }
0x43: {  	s25 =	sadd.s32 s23, s10;
	s23 =	smov.u32 s28;
	[sflag:s12] =	ssyncadd.s32 $0xFFFFF600  }
0x44: {  	[tilespmem:s13], [sflag:$0x2] =	stream.linear.gather [hbm4b:s25+s3], $0xA00, $0x38;
	[tilespmem:$0x1F400] =	vst v63  }
0x45: {  	_ =	swait.ge [sflag:s12], $0xA00  }
0x46: {  	[sflag:s12] =	ssyncset.done $0x0  }
0x47: {  	[sflag:s12] =	ssyncadd.s32 $0xFFFFF600  }
0x48: {  	[tilespmem:s15], [sflag:$0x1] =	stream.indirect.gather [hbm4b:s4+s14], $0x20, s3, s14, $0xb8;
	[tilespmem:$0x1F400] =	vst v63  }
0x49: {  	_ =	swait.ge [sflag:s16], $0x5000  }
0x4a: {  	[sflag:s16] =	ssyncset.done $0x0  }
0x4b: {  	[sflag:s16] =	ssyncadd.s32 $0xFFFFB000  }
0x4c: {  	[spmem:s2] =	stream.indirect.scatter.add.f32 [tilespmem:s15], [sflag:$0x2], $0x20, s13, s14, $0xb8;
	[tilespmem:$0x1F400] =	vst v63  }
0x4d: {  	_ =	swait.ge [sflag:s12], $0x5000  }
0x4e: {  	[sflag:s12] =	ssyncset.done $0x0  }
0x4f: {  	[sflag:s12] =	ssyncadd.s32 $0xFFFFB000  }
0x50: {  	[tilespmem:s15], [sflag:$0x1] =	stream.indirect.gather [hbm4b:s4+s14], $0x20, s14, s14, $0xb8;
	[tilespmem:$0x1F400] =	vst v63  }
0x51: {  	_ =	swait.ge [sflag:s16], $0x5000  }
0x52: {  	[sflag:s16] =	ssyncset.done $0x0  }
0x53: {  	[sflag:s16] =	ssyncadd.s32 $0xFFFFB000  }
0x54: {  	[spmem:s2] =	stream.indirect.scatter.add.f32 [tilespmem:s15], [sflag:$0x2], $0x20, s17, s14, $0xb8;
	[tilespmem:$0x1F400] =	vst v63  }
0x55: {  	_ =	swait.ge [sflag:s12], $0x5000  }
0x56: {  	[sflag:s12] =	ssyncset.done $0x0  }
0x57: {  	[sflag:s12] =	ssyncadd.s32 $0xFFFFB000  }
0x58: {  	[tilespmem:s15], [sflag:$0x1] =	stream.indirect.gather [hbm4b:s4+s14], $0x20, s18, s14, $0xb8;
	[tilespmem:$0x1F400] =	vst v63  }
0x59: {  	_ =	swait.ge [sflag:s16], $0x5000  }
0x5a: {  	[sflag:s16] =	ssyncset.done $0x0  }
0x5b: {  	[sflag:s16] =	ssyncadd.s32 $0xFFFFB000  }
0x5c: {  	[spmem:s2] =	stream.indirect.scatter.add.f32 [tilespmem:s15], [sflag:$0x2], $0x20, s19, s14, $0xb8;
	[tilespmem:$0x1F400] =	vst v63  }
0x5d: {  	_ =	swait.ge [sflag:s12], $0x5000  }
0x5e: {  	[sflag:s12] =	ssyncset.done $0x0  }
0x5f: {  	[sflag:s12] =	ssyncadd.s32 $0xFFFFB000  }
0x60: {  	[tilespmem:s15], [sflag:$0x1] =	stream.indirect.gather [hbm4b:s4+s14], $0x20, s20, s14, $0xb8;
	[tilespmem:$0x1F400] =	vst v63  }
0x61: {  	_ =	swait.ge [sflag:s16], $0x5000  }
.Ltmp0:
0x62: {  	[sflag:s16] =	ssyncset.done $0x0;
	(pc) =	sbr.rel @p0 .LBB2_2-.Ltmp0, $4  }
0x63: {  	[sflag:s16] =	ssyncadd.s32 $0xFFFFB000  }
0x64: {  	[spmem:s2] =	stream.indirect.scatter.add.f32 [tilespmem:s15], [sflag:$0x2], $0x20, s21, s14, $0xb8;
	[tilespmem:$0x1F400] =	vst v63  }
0x65: {  	_ =	swait.ge [sflag:s12], $0x5000  }
0x66: {  	s25 =	smov.u32 s24;
	[sflag:s12] =	ssyncset.done $0x0  }
0x67: {  	s24 =	sadd.s32 s23, s9;
	[sflag:s12] =	ssyncadd.s32 $0xFFFFB000  }
0x68: {  	[tilespmem:s3], [sflag:$0x2] =	stream.linear.gather [hbm4b:s24+s3], $0xA00, $0x38;
	[tilespmem:$0x1F400] =	vst v63  }
0x69: {  	_ =	swait.ge [sflag:s12], $0xA00  }
0x6a: {  	[sflag:s12] =	ssyncset.done $0x0  }
0x6b: {  	s31 =	sadd.s32 s23, s10;
	[sflag:s12] =	ssyncadd.s32 $0xFFFFF600  }
0x6c: {  	[tilespmem:s13], [sflag:$0x2] =	stream.linear.gather [hbm4b:s31+s3], $0xA00, $0x38;
	[tilespmem:$0x1F400] =	vst v63  }
0x6d: {  	_ =	swait.ge [sflag:s12], $0xA00  }
0x6e: {  	[sflag:s12] =	ssyncset.done $0x0  }
0x6f: {  	[sflag:s12] =	ssyncadd.s32 $0xFFFFF600  }
0x70: {  	[tilespmem:s15], [sflag:$0x1] =	stream.indirect.gather [hbm4b:s4+s14], $0x20, s3, s14, $0xb8;
	[tilespmem:$0x1F400] =	vst v63  }
0x71: {  	_ =	swait.ge [sflag:s16], $0x5000  }
0x72: {  	[sflag:s16] =	ssyncset.done $0x0  }
0x73: {  	[sflag:s16] =	ssyncadd.s32 $0xFFFFB000  }
0x74: {  	[spmem:s2] =	stream.indirect.scatter.add.f32 [tilespmem:s15], [sflag:$0x2], $0x20, s13, s14, $0xb8;
	[tilespmem:$0x1F400] =	vst v63  }
0x75: {  	_ =	swait.ge [sflag:s12], $0x5000  }
0x76: {  	[sflag:s12] =	ssyncset.done $0x0  }
0x77: {  	[sflag:s12] =	ssyncadd.s32 $0xFFFFB000  }
0x78: {  	[tilespmem:s15], [sflag:$0x1] =	stream.indirect.gather [hbm4b:s4+s14], $0x20, s14, s14, $0xb8;
	[tilespmem:$0x1F400] =	vst v63  }
0x79: {  	_ =	swait.ge [sflag:s16], $0x5000  }
0x7a: {  	[sflag:s16] =	ssyncset.done $0x0  }
0x7b: {  	[sflag:s16] =	ssyncadd.s32 $0xFFFFB000  }
0x7c: {  	[spmem:s2] =	stream.indirect.scatter.add.f32 [tilespmem:s15], [sflag:$0x2], $0x20, s17, s14, $0xb8;
	[tilespmem:$0x1F400] =	vst v63  }
0x7d: {  	_ =	swait.ge [sflag:s12], $0x5000  }
0x7e: {  	[sflag:s12] =	ssyncset.done $0x0  }
0x7f: {  	[sflag:s12] =	ssyncadd.s32 $0xFFFFB000  }
0x80: {  	[tilespmem:s15], [sflag:$0x1] =	stream.indirect.gather [hbm4b:s4+s14], $0x20, s18, s14, $0xb8;
	[tilespmem:$0x1F400] =	vst v63  }
0x81: {  	_ =	swait.ge [sflag:s16], $0x5000  }
0x82: {  	[sflag:s16] =	ssyncset.done $0x0  }
0x83: {  	[sflag:s16] =	ssyncadd.s32 $0xFFFFB000  }
0x84: {  	[spmem:s2] =	stream.indirect.scatter.add.f32 [tilespmem:s15], [sflag:$0x2], $0x20, s19, s14, $0xb8;
	[tilespmem:$0x1F400] =	vst v63  }
0x85: {  	_ =	swait.ge [sflag:s12], $0x5000  }
0x86: {  	[sflag:s12] =	ssyncset.done $0x0  }
0x87: {  	[sflag:s12] =	ssyncadd.s32 $0xFFFFB000  }
0x88: {  	[tilespmem:s15], [sflag:$0x1] =	stream.indirect.gather [hbm4b:s4+s14], $0x20, s20, s14, $0xb8;
	[tilespmem:$0x1F400] =	vst v63  }
0x89: {  	_ =	swait.ge [sflag:s16], $0x5000  }
0x8a: {  	[sflag:s16] =	ssyncset.done $0x0  }
0x8b: {  	[sflag:s16] =	ssyncadd.s32 $0xFFFFB000  }
0x8c: {  	[spmem:s2] =	stream.indirect.scatter.add.f32 [tilespmem:s15], [sflag:$0x2], $0x20, s21, s14, $0xb8;
	[tilespmem:$0x1F400] =	vst v63  }
0x8d: {  	_ =	swait.ge [sflag:s12], $0x5000  }
0x8e: {  	s22 =	sadd.s32 $0x1, s22;
	[sflag:s12] =	ssyncset.done $0x0  }
0x8f: {  	p0 =	sne.s32 s22, s8;
	[sflag:s12] =	ssyncadd.s32 $0xFFFFB000  }
.Ltmp1:
0x90: {  	[bflag:$0x0] =	sbarrier.arrive $0xFFFF;
	(pc) =	sbr.rel @p0 .LBB2_1-.Ltmp1, $4  }
0x91: {  	[hbm:s7], [sflag:s6] =	dma.local [spmem:s11], $0x3200  }
0x92: {  	_ =	swait.ge [sflag:s12], $0x3200  }
0x93: {  	[sflag:s12] =	ssyncset.done $0x0  }
0x94: {  	[sflag:s12] =	ssyncadd.s32 $0xFFFFCE00  }
0x95: {  	_ =	sfence.sel $0x180000  }
0x96: {  	[bflag:$0x0] =	sbarrier.arrive $0xFFFF  }
0x97: {  	p0 =	sne.s32 s0, $0x0;
	_ =	strace $0x9000004D  }
0x98: {  	s0 =	sadd.s32 @!p0 $0x100000, s1;
	[bflag:$0x2] =	sbarrier.arrive $0xFFFF  }
0x99: {  	[sflag:s0] =	ssyncadd.tile.s32 @!p0 $0x1;
	_ =	shalt  }
.Lfunc_end2:
_tile_overlayer_lowered:
.L_overlay_start_2:
0x9a: {  	(tag) =	ssettag $0x2  }
0x9b: {  	s0 =	rddreg [dreg:$0x0];
	s2 =	stileid.u32  }
0x9c: {  	s1 =	rddreg [dreg:$0x1];
	p0 =	sne.s32 s2, $0x0  }
0x9d: {  	s3 =	rddreg [dreg:$0x2];
	[bflag:$0x3] =	sbarrier.arrive $0xFFFF;
	s2 =	simm.s32 @!p0 $0x1C02  }
0x9e: {  	[timem:s3], [sflag:s2] =	dma.local @!p0 [hbm:s0], s1  }
0x9f: {  	s0 =	simm.s32 @!p0 $0x2  }
0xa0: {  	_ =	swait.ge @!p0 [sflag:s0], s1  }
0xa1: {  	s1 =	ssub.s32 @!p0 $0x0, s1;
	[sflag:s0] =	ssyncset.done @!p0 $0x0  }
0xa2: {  	[sflag:s0] =	ssyncadd.s32 @!p0 s1  }
0xa3: {  	[bflag:$0x3] =	sbarrier.arrive $0xFFFF  }
0xa4: {  	_ =	shalt  }

// kernel: kernel.8.cloned.1.call-start
scs
__scs_entry_jumppad:
0x0: {  	(pc) =	sbr.rel $0x88, $3  }
0x1: {  	(tag) =	ssettag $0x0;
	lr =	simm.s32 $0x1  }
0x2: {  	[smem:$0x3F8F] =	sst lr;
	_ =	strace $0xD0000000  }
0x3: {  	_ = 	snop  }
0x4: {  	_ = 	snop  }
0x5: {  	_ = 	snop  }
0x6: {  	_ = 	snop  }
0x7: {  	_ = 	snop  }
__scs_overlays_trampoline_lowered:
0x8: {  	[smem:$0x3F9E] =	sst s0  }
0x9: {  	[smem:$0x3F9F] =	sst s1  }
0xa: {  	[smem:$0x3FA0] =	sst s2  }
0xb: {  	[smem:$0x3FA1] =	sst s3  }
0xc: {  	[smem:$0x3FA2] =	sst s4  }
0xd: {  	[smem:$0x3FA3] =	sst s5  }
0xe: {  	[smem:$0x3FA4] =	sst s6  }
0xf: {  	[smem:$0x3FA5] =	sst s7  }
0x10: {  	[smem:$0x3FA6] =	sst s8  }
0x11: {  	[smem:$0x3FA7] =	sst s9;
	s0 =	simm.s32 @!p0 $0x0  }
0x12: {  	s1 =	sld [smem:$0x3F8D];
	s0 =	simm.s32 @p0 $0x1  }
0x13: {  	[smem:$0x3FA8] =	sst s0;
	s0 =	simm.s32 @!p1 $0x0  }
0x14: {  	s2 =	sld [smem:$0x3F8C];
	s0 =	simm.s32 @p1 $0x1  }
0x15: {  	[smem:$0x3FA9] =	sst s0;
	s0 =	simm.s32 @!p2 $0x0  }
0x16: {  	s3 =	sld [smem:$0x3FDB];
	s0 =	simm.s32 @p2 $0x1  }
0x17: {  	s4 =	simm.s32 $0x1BF5;
	[smem:$0x3FAB] =	sst s0  }
0x18: {  	s0 =	sld [smem:$0x3F8E];
	_ =	swait.ge [sflag:s4], $0x0  }
0x19: {  	s7 =	sld [smem:$0x3F8F]  }
0x1a: {  	s8 =	sadd.s32 $0xFFFFE003, lr  }
0x1b: {  	s9 =	sadd.s32 $0xFFFFFEF7, lr;
	s5 =	simm.s32 $0xFFFFFFFF;
	p2 =	slt.u32 s8, $0xFFFFF086  }
0x1c: {  	p1 =	slt.u32 s9, $0xF7A;
	s5 =	simm.s32 @!p2 $0x0  }
0x1d: {  	s5 =	simm.s32 @p1 $0x1;
	p0 =	seq.s32 s7, s2  }
0x1e: {  	s7 =	smul.u32 @!p0 $0xF7A, s2;
	p2 =	seq.s32 @!p0 s5, $0x0  }
0x1f: {  	s9 =	smul.u32 $0xF7A, s1;
	s8 =	simm.s32 @!p0 $0x1BF5;
	p2 =	por !p2, p0  }
0x20: {  	[sflag:s8] =	ssyncset.s32 @!p0 $0xFFFFF086;
	s6 =	sadd.s32 @!p0 s3, s7;
	s7 =	simm.s32 @!p0 $0x108  }
0x21: {  	s3 =	sadd.s32 s3, s9;
	s6 =	sadd.s32 @!p0 $0x88, s6;
	s7 =	simm.s32 @p2 $0x1082  }
0x22: {  	[simem:s7], [sflag:s8] =	dma.local @!p0 [hbm:s6], $0xF7A  }
0x23: {  	s9 =	sor.u32 $0xD0000000, s2;
	s6 =	simm.s32 $0x108;
	_ =	swait.ge @!p0 [sflag:s8], $0x0  }
0x24: {  	s3 =	sadd.s32 $0x88, s3;
	s6 =	simm.s32 @!p1 $0x1082;
	[sflag:s4] =	ssyncset.s32 $0xFFFFF086  }
0x25: {  	[simem:s6], [sflag:s4] =	dma.local [hbm:s3], $0xF7A  }
0x26: {  	[smem:$0x3F8F] =	sst s1;
	(tag) =	ssettag s2;
	_ =	strace s9  }
0x27: {  	s1 =	sld [smem:$0x3F9F]  }
0x28: {  	s2 =	sld [smem:$0x3FA0]  }
0x29: {  	s4 =	sld [smem:$0x3FA2]  }
0x2a: {  	p0 =	seq.s32 s5, $0x0;
	s5 =	sld [smem:$0x3FA3]  }
0x2b: {  	s6 =	sld [smem:$0x3FA4]  }
0x2c: {  	s7 =	sld [smem:$0x3FA5]  }
0x2d: {  	s3 =	simm.s32 $0x108;
	s8 =	sld [smem:$0x3FA6]  }
0x2e: {  	s3 =	simm.s32 @!p0 $0x1082;
	s9 =	sld [smem:$0x3FA7]  }
0x2f: {  	lr =	sadd.s32 s0, s3;
	s0 =	sld [smem:$0x3F9E]  }
0x30: {  	s3 =	sld [smem:$0x3FA1]  }
0x31: {  	[smem:$0x3FAA] =	sst s10  }
0x32: {  	s10 =	sld [smem:$0x3FA8];
	_ =	sdelay $0x3  }
0x33: {  	p0 =	seq.s32 s10, $0x1;
	s10 =	sld [smem:$0x3FAA];
	_ =	sdelay $0x3  }
0x34: {  	[smem:$0x3FAA] =	sst s10  }
0x35: {  	s10 =	sld [smem:$0x3FA9];
	_ =	sdelay $0x3  }
0x36: {  	p1 =	seq.s32 s10, $0x1;
	s10 =	sld [smem:$0x3FAA];
	_ =	sdelay $0x3  }
0x37: {  	[smem:$0x3FAA] =	sst s10  }
0x38: {  	s10 =	sld [smem:$0x3FAB]  }
0x39: {  	_ = 	snop;
	(pc) =	sbr.ind lr, $3  }
0x3a: {  	_ = 	snop  }
0x3b: {  	_ = 	snop  }
0x3c: {  	p2 =	seq.s32 s10, $0x1;
	s10 =	sld [smem:$0x3FAA]  }
0x3d: {  	_ =	shalt  }
0x3e: {  	_ =	shalt  }
0x3f: {  	_ =	shalt  }
0x40: {  	_ =	shalt  }
0x41: {  	_ =	shalt  }
0x42: {  	_ =	shalt  }
0x43: {  	_ =	shalt  }
0x44: {  	_ =	shalt  }
0x45: {  	_ =	shalt  }
0x46: {  	_ =	shalt  }
0x47: {  	_ =	shalt  }
0x48: {  	_ =	shalt  }
0x49: {  	_ =	shalt  }
0x4a: {  	_ =	shalt  }
0x4b: {  	_ =	shalt  }
0x4c: {  	_ =	shalt  }
0x4d: {  	_ =	shalt  }
0x4e: {  	_ =	shalt  }
0x4f: {  	_ =	shalt  }
0x50: {  	_ =	shalt  }
0x51: {  	_ =	shalt  }
0x52: {  	_ =	shalt  }
0x53: {  	_ =	shalt  }
0x54: {  	_ =	shalt  }
0x55: {  	_ =	shalt  }
0x56: {  	_ =	shalt  }
0x57: {  	_ =	shalt  }
0x58: {  	_ =	shalt  }
0x59: {  	_ =	shalt  }
0x5a: {  	_ =	shalt  }
0x5b: {  	_ =	shalt  }
0x5c: {  	_ =	shalt  }
0x5d: {  	_ =	shalt  }
0x5e: {  	_ =	shalt  }
0x5f: {  	_ =	shalt  }
0x60: {  	_ =	shalt  }
0x61: {  	_ =	shalt  }
0x62: {  	_ =	shalt  }
0x63: {  	_ =	shalt  }
0x64: {  	_ =	shalt  }
0x65: {  	_ =	shalt  }
0x66: {  	_ =	shalt  }
0x67: {  	_ =	shalt  }
0x68: {  	_ =	shalt  }
0x69: {  	_ =	shalt  }
0x6a: {  	_ =	shalt  }
0x6b: {  	_ =	shalt  }
0x6c: {  	_ =	shalt  }
0x6d: {  	_ =	shalt  }
0x6e: {  	_ =	shalt  }
0x6f: {  	_ =	shalt  }
0x70: {  	_ =	shalt  }
0x71: {  	_ =	shalt  }
0x72: {  	_ =	shalt  }
0x73: {  	_ =	shalt  }
0x74: {  	_ =	shalt  }
0x75: {  	_ =	shalt  }
0x76: {  	_ =	shalt  }
0x77: {  	_ =	shalt  }
0x78: {  	_ =	shalt  }
0x79: {  	_ =	shalt  }
0x7a: {  	_ =	shalt  }
0x7b: {  	_ =	shalt  }
0x7c: {  	_ =	shalt  }
0x7d: {  	_ =	shalt  }
0x7e: {  	_ =	shalt  }
0x7f: {  	_ =	shalt  }
0x80: {  	_ =	shalt  }
0x81: {  	_ =	shalt  }
0x82: {  	_ =	shalt  }
0x83: {  	_ =	shalt  }
0x84: {  	_ =	shalt  }
0x85: {  	_ =	shalt  }
0x86: {  	_ =	shalt  }
0x87: {  	_ =	shalt  }
.Lfunc_end0:
.L_simem_size_0:
called_computation_lowered:
.L_overlay_start_0:
0x88: {  	s2 =	sld [smem:$0x3FD9]  }
0x89: {  	s3 =	sld [smem:$0x3FFE];
	_ =	sdelay $0x1  }
0x8a: {  	s1 =	srdreg.scid  }
0x8b: {  	s0 =	sand.u32 $0x1, s1  }
0x8c: {  	s17 =	sshll.u32 s0, $0xA;
	s2 =	sadd.s32 s3, s2  }
0x8d: {  	s2 =	sadd.s32 s2, s17  }
0x8e: {  	[smem:$0x3FB6] =	sst s2  }
0x8f: {  	_ = 	snop  }
0x90: {  	s18 =	sld [smem:$0x3FD0];
	(tm) =	ssettm $0x1  }
0x91: {  	s19 =	sld [smem:$0x3FFB];
	_ =	sdelay $0x3  }
0x92: {  	_ =	strace s19  }
0x93: {  	s2 =	sld [smem:$0x3FFC];
	_ =	sdelay $0x3  }
0x94: {  	_ =	strace s2  }
0x95: {  	s2 =	sld [smem:$0x3FFD];
	_ =	sdelay $0x3  }
0x96: {  	_ =	strace s2  }
0x97: {  	_ =	strace $0x8FFFFFFF  }
0x98: {  	s20 =	sld [smem:$0x3FDB];
	_ =	sdelay $0x1  }
0x99: {  	s4 =	simm.s32 $_scs_section_size  }
0x9a: {  	s5 =	simm.s32 $_size__tile_overlayer_lowered;
	s6 =	simm.s32 $_tile_overlayer_lowered  }
0x9b: {  	s7 =	simm.s32 $0x1BFF;
	s21 =	sshll.u32 s6, $0x1;
	s4 =	sadd.s32 s4, s20  }
0x9c: {  	s22 =	simm.s32 $0x0;
	s5 =	sshll.u32 s5, $0x1;
	s6 =	sadd.s32 s21, s4  }
0x9d: {  	[timem:s22], [sflag:s7] =	dma.local [hbm:s6], s5  }
0x9e: {  	_ =	swait.ge [sflag:s7], s5  }
0x9f: {  	s5 =	ssub.s32 $0x0, s5;
	[sflag:s7] =	ssyncset.done $0x0  }
0xa0: {  	[sflag:s7] =	ssyncadd.s32 s5;
	_ =	sdelay $0x1  }
0xa1: {  	s23 =	simm.s32 $0x1B8B  }
0xa2: {  	_ =	swait.ge [sflag:s23], $0x1  }
0xa3: {  	[sflag:s23] =	ssyncset.done $0x0  }
0xa4: {  	[sflag:s23] =	ssyncadd.s32 $0xFFFFFFFF  }
0xa5: {  	s5 =	sld [smem:$0x0]  }
0xa6: {  	s6 =	sand.u32 $0xFFFFFFFE, s1  }
0xa7: {  	p0 =	sne.s32 s1, s6  }
0xa8: {  	s6 =	sshll.u32 @p0 s6, $0xE  }
0xa9: {  	s6 =	sadd.s32 @p0 $0x11B8D, s6;
	s7 =	sshll.u32 @p0 s5, $0x11  }
0xaa: {  	s6 =	sor.u32 @p0 s7, s6  }
0xab: {  	[sflag:s6] =	ssyncadd.remote.s32 @p0 $0x1;
	_ =	sdelay $0x1  }
0xac: {  	s6 =	simm.s32 @p0 $0x1B8D  }
0xad: {  	_ =	swait.eq @p0 [sflag:s6], $0x1  }
0xae: {  	[sflag:s6] =	ssyncadd.s32 @p0 $0xFFFFFFFF  }
0xaf: {  	s7 =	sshll.u32 @!p0 s1, $0xE  }
0xb0: {  	s7 =	sor.u32 @!p0 $0x4000, s7;
	s6 =	simm.s32 @!p0 $0x1B8D  }
0xb1: {  	s5 =	sshll.u32 @!p0 s5, $0x11;
	s7 =	sadd.s32 @!p0 $0x11B8D, s7;
	_ =	swait.eq @!p0 [sflag:s6], $0x1  }
0xb2: {  	s5 =	sor.u32 @!p0 s5, s7;
	[sflag:s6] =	ssyncadd.s32 @!p0 $0xFFFFFFFF  }
0xb3: {  	s25 =	simm.s32 $0x1B8E;
	s24 =	sld [smem:$0x3FFE];
	[sflag:s5] =	ssyncadd.remote.s32 @!p0 $0x1  }
0xb4: {  	s26 =	simm.s32 $execute0_lowered;
	[smem:$0x3FD2] =	sst s25  }
0xb5: {  	s6 =	sshll.u32 s26, $0x1;
	_ =	strace $0x80000049;
	[dreg:$0x1] =	wrdreg $0xFFFFFFFF  }
0xb6: {  	s28 =	simm.s32 $_size_execute0_lowered;
	s4 =	sadd.s32 s4, s6;
	[dreg:$0x0] =	wrdreg $0x0  }
0xb7: {  	s6 =	sshll.u32 s28, $0x1;
	[dreg:$0x2] =	wrdreg s4  }
0xb8: {  	[dreg:$0x3] =	wrdreg s6  }
0xb9: {  	[dreg:$0x4] =	wrdreg $0xC0  }
0xba: {  	_ =	task [dreg:s22], $0x5FFFF  }
0xbb: {  	[dreg:$0x1] =	wrdreg $0xFFFFFFFF  }
0xbc: {  	[dreg:$0x0] =	wrdreg $0x60  }
0xbd: {  	[dreg:$0x2] =	wrdreg s24  }
0xbe: {  	[dreg:$0x3] =	wrdreg s18  }
0xbf: {  	[dreg:$0x4] =	wrdreg $0x1E000  }
0xc0: {  	[dreg:$0x5] =	wrdreg $0x9  }
0xc1: {  	_ =	task.clear_ibuf [dreg:s22], $0x6FFFF;
	_ =	strace $0x90000049  }
0xc2: {  	s29 =	simm.s32 $0x9;
	_ =	strace $0x8000004B  }
0xc3: {  	_ =	swait.ge [sflag:s29], $0x1  }
0xc4: {  	[sflag:s29] =	ssyncadd.s32 $0xFFFFFFFF  }
0xc5: {  	_ =	strace $0x9000004B  }
0xc6: {  	_ =	sfence  }
0xc7: {  	s30 =	sld [smem:$0x0];
	_ =	sdelay $0x2  }
0xc8: {  	s31 =	sshll.u32 s1, $0xD;
	s1 =	sshrl.u32 s1, $0x2  }
0xc9: {  	s4 =	sand.u32 $0x4000, s31;
	s1 =	sadd.s32 s1, s30  }
0xca: {  	s0 =	sor.u32 s4, s0;
	s1 =	sshll.u32 s1, $0x11  }
0xcb: {  	s0 =	sor.u32 s1, s0  }
0xcc: {  	s0 =	sadd.s32 $0x8F2B, s0  }
0xcd: {  	[sflag:s0] =	ssyncadd.remote.s32 $0x1  }
0xce: {  	_ =	sfence.sel $0xFFFF  }
0xcf: {  	[dreg:$0x0] =	wrdreg $0xFFFFFFFF;
	(pc) =	sbr.abs _section_cstart, $3  }
0xd0: {  	[dreg:$0x1] =	wrdreg $0xFFFFFFFF  }
0xd1: {  	_ =	task.clear_ibuf [dreg:s22], $0x2FFFF;
	_ =	strace $0x9FFFFFFF  }
0xd2: {  	(tm) =	ssettm $0x7FFFFFFF  }
0xd3: {  	_ =	shalt  }
tec
execute0_lowered:
.L_overlay_start_1:
0x0: {  	(tag) =	ssettag $0x1  }
0x1: {  	s5 =	rddreg [dreg:$0x0]  }
0x2: {  	s1 =	rddreg [dreg:$0x1];
	s0 =	stileid.u32  }
0x3: {  	s2 =	srdreg.scid;
	s3 =	rddreg [dreg:$0x2];
	s4 =	simm.s32 $0x0  }
0x4: {  	s15 =	simm.s32 $0x280;
	s16 =	simm.s32 $0x0;
	s6 =	smul.u32 $0x1900, s0  }
0x5: {  	s7 =	smul.u32 $0x6400, s0;
	s8 =	sand.u32 $0x1, s2;
	s2 =	rddreg [dreg:$0x3]  }
0x6: {  	[smem:$0x7FF] =	sst s4;
	s31 =	sshll.u32 s0, $0x6;
	s9 =	smul.u32 $0x64000, s8  }
0x7: {  	_ =	strace $0x8000004A;
	s10 =	ssub.s32 $0x2, s8;
	s13 =	ssub.s32 $0x0, s8  }
0x8: {  	p0 =	seq.s32 s8, $0x0;
	s8 =	simm.s32 $0x500;
	s11 =	sadd.s32 s6, s5  }
0x9: {  	s29 =	sshrl.u32 s7, $0x3;
	s30 =	sshrl.u32 s10, $0x1;
	s14 =	sadd.s32 s7, s3  }
0xa: {  	s8 =	simm.s32 @!p0 $0x780;
	s28 =	sadd.s32 s7, s9;
	s9 =	sadd.s32 s29, s5  }
0xb: {  	s10 =	ssub.s32 s10, s30;
	s11 =	sadd.s32 $0x147200, s11;
	s6 =	sshrl.u32 s28, $0x3  }
0xc: {  	s12 =	sadd.s32 s6, s5;
	s5 =	sadd.s32 $0x160200, s9;
	s6 =	sor.u32 $0x1C01, s31  }
0xd: {  	s9 =	smax.u32 s10, $0x1;
	s10 =	sand.u32 $0x280, s13;
	s13 =	simm.s32 $0x1  }
0xe: {  	s7 =	sadd.s32 $0x16CA00, s12;
	s12 =	sshrl.u32 s14, $0x3;
	s14 =	simm.s32 $0xA00  }
.LBB2_1:
0xf: {  	[spmem:s12], [sflag:s6] =	dma.local [hbm:s5], $0xC80  }
0x10: {  	_ =	swait.ge [sflag:s13], $0xC80  }
0x11: {  	[sflag:s13] =	ssyncset.done $0x0  }
0x12: {  	[sflag:s13] =	ssyncadd.s32 $0xFFFFF380  }
0x13: {  	[tilespmem:s14], [sflag:$0x1] =	stream.linear.gather [hbm4b:s1+s4], $0x1400, $0x38;
	[tilespmem:$0x8200] =	vst v63  }
0x14: {  	_ =	swait.ge [sflag:s13], $0x1400  }
0x15: {  	[sflag:s13] =	ssyncset.done $0x0  }
0x16: {  	[sflag:s13] =	ssyncadd.s32 $0xFFFFEC00  }
0x17: {  	s17 =	sadd.s32 $0x0, s11;
	[bflag:$0x0] =	sbarrier.arrive $0xFFFF  }
0x18: {  	[tilespmem:s4], [sflag:$0x1] =	stream.linear.gather [hbm4b:s17+s4], $0xA00, $0x38;
	[tilespmem:$0x8200] =	vst v63  }
0x19: {  	_ =	swait.ge [sflag:s13], $0xA00  }
0x1a: {  	[sflag:s13] =	ssyncset.done $0x0  }
0x1b: {  	[sflag:s13] =	ssyncadd.s32 $0xFFFFF600  }
0x1c: {  	[spmem:s3] =	stream.indirect.scatter.add.f32 [tilespmem:s14], [sflag:$0x1], $0x8, s10, s15, $0xb8;
	[tilespmem:$0x8200] =	vst v63  }
0x1d: {  	_ =	swait.ge [sflag:s13], $0x1400  }
0x1e: {  	[sflag:s13] =	ssyncset.done $0x0  }
0x1f: {  	[sflag:s13] =	ssyncadd.s32 $0xFFFFEC00  }
0x20: {  	[spmem:s3] =	stream.indirect.scatter.add.f32 [tilespmem:s14], [sflag:$0x1], $0x8, s8, s15, $0xb8;
	[tilespmem:$0x8200] =	vst v63  }
0x21: {  	_ =	swait.ge [sflag:s13], $0x1400  }
0x22: {  	s18 =	simm.s32 $0x280;
	s17 =	simm.s32 $0x140;
	[sflag:s13] =	ssyncset.done $0x0  }
.LBB2_2:
0x23: {  	s19 =	sadd.s32 s17, s11  }
0x24: {  	[sflag:s13] =	ssyncadd.s32 $0xFFFFEC00;
	s17 =	smov.u32 s18;
	s20 =	sadd.s32 $0x140, s18  }
0x25: {  	[tilespmem:s4], [sflag:$0x1] =	stream.linear.gather [hbm4b:s19+s4], $0xA00, $0x38;
	[tilespmem:$0x8200] =	vst v63  }
0x26: {  	p0 =	sne.s32 s18, $0x17C0;
	_ =	swait.ge [sflag:s13], $0xA00  }
0x27: {  	[sflag:s13] =	ssyncset.done $0x0  }
0x28: {  	[sflag:s13] =	ssyncadd.s32 $0xFFFFF600  }
0x29: {  	[spmem:s3] =	stream.indirect.scatter.add.f32 [tilespmem:s14], [sflag:$0x1], $0x8, s10, s15, $0xb8;
	[tilespmem:$0x8200] =	vst v63  }
0x2a: {  	_ =	swait.ge [sflag:s13], $0x1400  }
.Ltmp0:
0x2b: {  	[sflag:s13] =	ssyncset.done $0x0;
	(pc) =	sbr.rel @p0 .LBB2_2-.Ltmp0, $4  }
0x2c: {  	[sflag:s13] =	ssyncadd.s32 $0xFFFFEC00  }
0x2d: {  	[spmem:s3] =	stream.indirect.scatter.add.f32 [tilespmem:s14], [sflag:$0x1], $0x8, s8, s15, $0xb8;
	[tilespmem:$0x8200] =	vst v63  }
0x2e: {  	_ =	swait.ge [sflag:s13], $0x1400  }
0x2f: {  	s18 =	smov.u32 s20;
	[sflag:s13] =	ssyncset.done $0x0  }
0x30: {  	s17 =	sadd.s32 s17, s11;
	[sflag:s13] =	ssyncadd.s32 $0xFFFFEC00  }
0x31: {  	[tilespmem:s4], [sflag:$0x1] =	stream.linear.gather [hbm4b:s17+s4], $0xA00, $0x38;
	[tilespmem:$0x8200] =	vst v63  }
0x32: {  	_ =	swait.ge [sflag:s13], $0xA00  }
0x33: {  	[sflag:s13] =	ssyncset.done $0x0  }
0x34: {  	[sflag:s13] =	ssyncadd.s32 $0xFFFFF600  }
0x35: {  	[spmem:s3] =	stream.indirect.scatter.add.f32 [tilespmem:s14], [sflag:$0x1], $0x8, s10, s15, $0xb8;
	[tilespmem:$0x8200] =	vst v63  }
0x36: {  	_ =	swait.ge [sflag:s13], $0x1400  }
0x37: {  	[sflag:s13] =	ssyncset.done $0x0  }
0x38: {  	[sflag:s13] =	ssyncadd.s32 $0xFFFFEC00  }
0x39: {  	[spmem:s3] =	stream.indirect.scatter.add.f32 [tilespmem:s14], [sflag:$0x1], $0x8, s8, s15, $0xb8;
	[tilespmem:$0x8200] =	vst v63  }
0x3a: {  	_ =	swait.ge [sflag:s13], $0x1400  }
0x3b: {  	s16 =	sadd.s32 $0x1, s16;
	[sflag:s13] =	ssyncset.done $0x0  }
0x3c: {  	p0 =	sne.s32 s16, s9;
	[sflag:s13] =	ssyncadd.s32 $0xFFFFEC00  }
.Ltmp1:
0x3d: {  	[bflag:$0x0] =	sbarrier.arrive $0xFFFF;
	(pc) =	sbr.rel @p0 .LBB2_1-.Ltmp1, $4  }
0x3e: {  	[hbm:s7], [sflag:s6] =	dma.local [spmem:s12], $0xC80  }
0x3f: {  	_ =	swait.ge [sflag:s13], $0xC80  }
0x40: {  	[sflag:s13] =	ssyncset.done $0x0  }
0x41: {  	[sflag:s13] =	ssyncadd.s32 $0xFFFFF380  }
0x42: {  	_ =	sfence.sel $0x180000  }
0x43: {  	[bflag:$0x0] =	sbarrier.arrive $0xFFFF  }
0x44: {  	p0 =	sne.s32 s0, $0x0;
	_ =	strace $0x9000004A  }
0x45: {  	s0 =	sadd.s32 @!p0 $0x100000, s2;
	[bflag:$0x2] =	sbarrier.arrive $0xFFFF  }
0x46: {  	[sflag:s0] =	ssyncadd.tile.s32 @!p0 $0x1;
	_ =	shalt  }
.Lfunc_end2:
_tile_overlayer_lowered:
.L_overlay_start_2:
0x47: {  	(tag) =	ssettag $0x2  }
0x48: {  	s0 =	rddreg [dreg:$0x0];
	s2 =	stileid.u32  }
0x49: {  	s1 =	rddreg [dreg:$0x1];
	p0 =	sne.s32 s2, $0x0  }
0x4a: {  	s3 =	rddreg [dreg:$0x2];
	[bflag:$0x3] =	sbarrier.arrive $0xFFFF;
	s2 =	simm.s32 @!p0 $0x1C01  }
0x4b: {  	[timem:s3], [sflag:s2] =	dma.local @!p0 [hbm:s0], s1  }
0x4c: {  	s0 =	simm.s32 @!p0 $0x1  }
0x4d: {  	_ =	swait.ge @!p0 [sflag:s0], s1  }
0x4e: {  	s1 =	ssub.s32 @!p0 $0x0, s1;
	[sflag:s0] =	ssyncset.done @!p0 $0x0  }
0x4f: {  	[sflag:s0] =	ssyncadd.s32 @!p0 s1  }
0x50: {  	[bflag:$0x3] =	sbarrier.arrive $0xFFFF  }
0x51: {  	_ =	shalt  }

</sc_bundles>
